<compile_context>
chip_gen: v7x
topology: tpu7x:2x2x1
jax: 0.10.2.dev20260603
libtpu: 0.0.44.dev20260713+nightly
codegen_flags: <defaults>
</compile_context>

<pallas_src>
import jax
import jax.numpy as jnp
from jax import lax
from jax.experimental import pallas as pl
from jax.experimental.pallas import tpu as pltpu
from jax.experimental.pallas import tpu_sc as plsc

_CHUNK = 128
_F = 128


def _sc_grid(n, e):
    info = plsc.get_sparse_core_info()
    nc, ns = info.num_cores, info.num_subcores
    rpt = -(-n // (ns * 16)) * 16
    return nc, ns, rpt, rpt * ns, e // _CHUNK


def _sc_counts(col, row, zeros, ones, *, n, e):
    nc, ns, rpt, npad, nchunk = _sc_grid(n, e)
    nw = nc * ns
    iters = -(-nchunk // nw)
    mesh = plsc.VectorSubcoreMesh(core_axis_name="c", subcore_axis_name="s")

    def body(col_hbm, row_hbm, zeros_hbm, ones_hbm, degp_hbm, cntp_hbm,
             idxc_v, idxr_v, ones_v, acc_deg, acc_cnt):
        c = lax.axis_index("c")
        s = lax.axis_index("s")
        wid = s * nc + c
        r0 = s * rpt
        pltpu.sync_copy(zeros_hbm.at[pl.ds(r0, rpt)], acc_deg.at[pl.ds(r0, rpt)])
        pltpu.sync_copy(zeros_hbm.at[pl.ds(r0, rpt)], acc_cnt.at[pl.ds(r0, rpt)])
        pltpu.sync_copy(ones_hbm, ones_v)
        plsc.subcore_barrier()

        @pl.loop(0, iters)
        def _(k):
            chunk = wid + k * nw

            @pl.when(chunk < nchunk)
            def _():
                base = chunk * _CHUNK
                pltpu.sync_copy(col_hbm.at[pl.ds(base, _CHUNK)], idxc_v)
                pltpu.sync_copy(row_hbm.at[pl.ds(base, _CHUNK)], idxr_v)
                pltpu.sync_copy(ones_v, acc_deg.at[idxc_v], add=True)
                pltpu.sync_copy(ones_v, acc_cnt.at[idxr_v], add=True)

        plsc.subcore_barrier()
        o0 = c * npad + r0
        pltpu.sync_copy(acc_deg.at[pl.ds(r0, rpt)], degp_hbm.at[pl.ds(o0, rpt)])
        pltpu.sync_copy(acc_cnt.at[pl.ds(r0, rpt)], cntp_hbm.at[pl.ds(o0, rpt)])

    run = pl.kernel(
        body,
        out_type=(jax.ShapeDtypeStruct((nc * npad,), jnp.float32),
                  jax.ShapeDtypeStruct((nc * npad,), jnp.float32)),
        mesh=mesh,
        scratch_types=(
            pltpu.VMEM((_CHUNK,), jnp.int32),
            pltpu.VMEM((_CHUNK,), jnp.int32),
            pltpu.VMEM((_CHUNK,), jnp.float32),
            pltpu.VMEM_SHARED((npad,), jnp.float32),
            pltpu.VMEM_SHARED((npad,), jnp.float32),
        ),
    )
    return run(col, row, zeros, ones)


def _sc_segsum(src, col, row, zeros, *, n, e):
    nc, ns, rpt, npad, nchunk = _sc_grid(n, e)
    nw = nc * ns
    iters = -(-nchunk // nw)
    mesh = plsc.VectorSubcoreMesh(core_axis_name="c", subcore_axis_name="s")

    def body(src_hbm, col_hbm, row_hbm, zeros_hbm, out_hbm,
             idxg_v, idxs_v, rows_v, acc):
        c = lax.axis_index("c")
        s = lax.axis_index("s")
        wid = s * nc + c
        r0 = s * rpt
        pltpu.sync_copy(zeros_hbm.at[pl.ds(r0, rpt)], acc.at[pl.ds(r0, rpt)])
        plsc.subcore_barrier()

        @pl.loop(0, iters)
        def _(k):
            chunk = wid + k * nw

            @pl.when(chunk < nchunk)
            def _():
                base = chunk * _CHUNK
                pltpu.sync_copy(col_hbm.at[pl.ds(base, _CHUNK)], idxg_v)
                pltpu.sync_copy(row_hbm.at[pl.ds(base, _CHUNK)], idxs_v)
                pltpu.sync_copy(src_hbm.at[idxg_v], rows_v)
                pltpu.sync_copy(rows_v, acc.at[idxs_v], add=True)

        plsc.subcore_barrier()
        pltpu.sync_copy(acc.at[pl.ds(r0, rpt)], out_hbm.at[c, pl.ds(r0, rpt)])

    run = pl.kernel(
        body,
        out_type=jax.ShapeDtypeStruct((nc, npad, _F), jnp.float32),
        mesh=mesh,
        scratch_types=(
            pltpu.VMEM((_CHUNK,), jnp.int32),
            pltpu.VMEM((_CHUNK,), jnp.int32),
            pltpu.VMEM((_CHUNK, _F), jnp.float32),
            pltpu.VMEM_SHARED((npad, _F), jnp.float32),
        ),
    )
    return run(src, col, row, zeros)


def _dot_t(a, w):
    return lax.dot_general(a, w, (((1,), (1,)), ((), ())),
                           preferred_element_type=jnp.float32)


def _mm_body(x_ref, w1_ref, degp_ref, ys_ref):
    deg = degp_ref[0, :, 0:1] + degp_ref[1, :, 0:1] + 1.0
    y = _dot_t(x_ref[...], w1_ref[...])
    ys_ref[...] = y * lax.rsqrt(deg)


def _h_body(degp_ref, aggp_ref, ys_ref, b1_ref, h_ref):
    deg = degp_ref[0, :, 0:1] + degp_ref[1, :, 0:1] + 1.0
    agg = aggp_ref[0] + aggp_ref[1] + ys_ref[...]
    h_ref[...] = jnp.maximum(agg * lax.rsqrt(deg) + b1_ref[...], 0.0)


def _out_body(h_ref, sump_ref, cntp_ref, wl_ref, bl_ref, wr_ref, br_ref,
              wo_ref, bo_ref, o_ref):
    h = h_ref[...]
    cnt = cntp_ref[0, :, 0:1] + cntp_ref[1, :, 0:1]
    mean = (sump_ref[0] + sump_ref[1]) / jnp.maximum(cnt, 1.0)
    t = (_dot_t(h, wl_ref[...]) + bl_ref[...]
         + _dot_t(mean, wr_ref[...]) + br_ref[...])
    t = jnp.maximum(t, 0.0)
    t = t / (jnp.sqrt(jnp.sum(t * t, axis=1, keepdims=True)) + 1e-6)
    z = _dot_t(t, wo_ref[...]) + bo_ref[...]
    m = jnp.max(z, axis=1, keepdims=True)
    ez = jnp.exp(z - m)
    o_ref[...] = ez / jnp.sum(ez, axis=1, keepdims=True)


def kernel(x, edge_index, W1, b1, Wl, bl, Wr, br, Wo, bo):
    n, f_in = x.shape
    e = edge_index.shape[1]
    h1 = W1.shape[0]
    h2 = Wl.shape[0]
    od = Wo.shape[0]
    nc, ns, rpt, npad, _ = _sc_grid(n, e)

    col = edge_index[1]
    row = edge_index[0]
    zeros_1 = jnp.zeros((npad,), jnp.float32)
    ones_1 = jnp.ones((_CHUNK,), jnp.float32)
    zeros_f = jnp.zeros((npad, _F), jnp.float32)
    w1p = jnp.pad(W1, ((0, _F - h1), (0, 0)))
    b1p = jnp.pad(b1, (0, _F - h1)).reshape(1, _F)
    wlp = jnp.pad(Wl, ((0, 0), (0, _F - h1)))
    wrp = jnp.pad(Wr, ((0, 0), (0, _F - h1)))

    degp, cntp = _sc_counts(col, row, zeros_1, ones_1, n=n, e=e)
    degp3 = degp.reshape(nc, npad, 1)
    cntp3 = cntp.reshape(nc, npad, 1)

    bm = 1000
    ys = pl.pallas_call(
        _mm_body,
        grid=(n // bm,),
        in_specs=[
            pl.BlockSpec((bm, f_in), lambda i: (i, 0)),
            pl.BlockSpec((_F, f_in), lambda i: (0, 0)),
            pl.BlockSpec((nc, bm, 1), lambda i: (0, i, 0)),
        ],
        out_specs=pl.BlockSpec((bm, _F), lambda i: (i, 0)),
        out_shape=jax.ShapeDtypeStruct((n, _F), jnp.float32),
    )(x, w1p, degp3)

    aggp = _sc_segsum(ys, col, row, zeros_f, n=n, e=e)

    bm2 = 2000
    h = pl.pallas_call(
        _h_body,
        grid=(n // bm2,),
        in_specs=[
            pl.BlockSpec((nc, bm2, 1), lambda i: (0, i, 0)),
            pl.BlockSpec((nc, bm2, _F), lambda i: (0, i, 0)),
            pl.BlockSpec((bm2, _F), lambda i: (i, 0)),
            pl.BlockSpec((1, _F), lambda i: (0, 0)),
        ],
        out_specs=pl.BlockSpec((bm2, _F), lambda i: (i, 0)),
        out_shape=jax.ShapeDtypeStruct((n, _F), jnp.float32),
    )(degp3, aggp, ys, b1p)

    sump = _sc_segsum(h, col, row, zeros_f, n=n, e=e)

    out = pl.pallas_call(
        _out_body,
        grid=(n // bm2,),
        in_specs=[
            pl.BlockSpec((bm2, _F), lambda i: (i, 0)),
            pl.BlockSpec((nc, bm2, _F), lambda i: (0, i, 0)),
            pl.BlockSpec((nc, bm2, 1), lambda i: (0, i, 0)),
            pl.BlockSpec((h2, _F), lambda i: (0, 0)),
            pl.BlockSpec((1, h2), lambda i: (0, 0)),
            pl.BlockSpec((h2, _F), lambda i: (0, 0)),
            pl.BlockSpec((1, h2), lambda i: (0, 0)),
            pl.BlockSpec((od, h2), lambda i: (0, 0)),
            pl.BlockSpec((1, od), lambda i: (0, 0)),
        ],
        out_specs=pl.BlockSpec((bm2, od), lambda i: (i, 0)),
        out_shape=jax.ShapeDtypeStruct((n, od), jnp.float32),
    )(h, sump, cntp3, wlp, bl.reshape(1, h2), wrp, br.reshape(1, h2),
      Wo, bo.reshape(1, od))
    return out

# --- scband reference (transcript-rebuilt; emitter-appended) ---
"""Pipeline reference for scband-my-net-3075196584646 (READ-ONLY COPY).

The authoritative reference and input builder live on the scoring server;
editing this copy changes nothing except your own understanding.
"""

import jax, jax.numpy as jnp
import numpy as np

N = 10000
E = 320000
F_IN = 1433
H1 = 32
H2 = 16
OUT = 7


def setup_inputs(seed: int = 0) -> dict:
    key = jax.random.key(seed)
    ks = jax.random.split(key, 12)
    x = jax.random.normal(ks[0], (N, F_IN), dtype=jnp.float32)
    edge_index = jax.random.randint(ks[1], (2, E), 0, N, dtype=jnp.int32)
    # learned parameters (torch Linear: y = x @ W.T + b)
    W1 = jax.random.normal(ks[2], (H1, F_IN), dtype=jnp.float32) * 0.02
    b1 = jnp.zeros((H1,), dtype=jnp.float32)
    Wl = jax.random.normal(ks[3], (H2, H1), dtype=jnp.float32) * 0.05
    bl = jnp.zeros((H2,), dtype=jnp.float32)
    Wr = jax.random.normal(ks[4], (H2, H1), dtype=jnp.float32) * 0.05
    br = jnp.zeros((H2,), dtype=jnp.float32)
    Wo = jax.random.normal(ks[5], (OUT, H2), dtype=jnp.float32) * 0.05
    bo = jnp.zeros((OUT,), dtype=jnp.float32)
    return {"x": x, "edge_index": edge_index, "W1": W1, "b1": b1,
            "Wl": Wl, "bl": bl, "Wr": Wr, "br": br, "Wo": Wo, "bo": bo}


def reference(x, edge_index, W1, b1, Wl, bl, Wr, br, Wo, bo):
    n = x.shape[0]
    # ---- BuildGcn (conv1): D^{-1/2} A_hat D^{-1/2} x, then Linear, then ReLU ----
    # add self loops
    loop = jnp.arange(n, dtype=edge_index.dtype)
    ei = jnp.concatenate([edge_index, jnp.stack([loop, loop], axis=0)], axis=1)
    row, col = ei[0], ei[1]
    # degree over destination index (edge_index_with_self_loops[1])
    deg = jnp.zeros((n,), dtype=x.dtype).at[col].add(1.0)
    dis = jnp.where(deg > 0, deg ** -0.5, 0.0)
    # (D^{-1/2} A D^{-1/2} x)[i] = dis[i] * sum_{(i,j) in E_hat} dis[j] * x[j]
    msgs = dis[col][:, None] * x[col]
    agg = jnp.zeros((n, x.shape[1]), dtype=x.dtype).at[row].add(msgs)
    h = dis[:, None] * agg
    h = h @ W1.T + b1
    h = jax.nn.relu(h)
    # ---- MyGraphSage (conv2): mean-neighbor aggregate on ORIGINAL edges ----
    r2, c2 = edge_index[0], edge_index[1]
    sums = jnp.zeros((n, h.shape[1]), dtype=h.dtype).at[r2].add(h[c2])
    cnts = jnp.zeros((n,), dtype=h.dtype).at[r2].add(1.0)
    mean = jnp.where(cnts[:, None] > 0, sums / jnp.maximum(cnts, 1.0)[:, None], 0.0)
    out = jax.nn.relu(h @ Wl.T + bl + mean @ Wr.T + br)
    norm = jnp.sqrt(jnp.sum(out * out, axis=1, keepdims=True)) + 1e-06
    out = out / norm
    # ---- final Linear + (dropout is identity in eval) + softmax ----
    out = out @ Wo.T + bo
    return jax.nn.softmax(out, axis=1)

if __name__ == "__main__":
    import jax
    _d = setup_inputs()
    print(jax.jit(kernel)(*tuple(_d.values())))

</pallas_src>

<mosaic_0001>
#map = affine_map<(d0, d1) -> (0, 0)>
#map1 = affine_map<(d0, d1) -> (0)>
#map2 = affine_map<(d0, d1) -> (0, 0, 0)>
module attributes {stable_mosaic.version = 14 : i64} {
  func.func @body(%arg0: i32, %arg1: i32, %arg2: memref<10000x128xf32, #tpu.memory_space<hbm>>, %arg3: memref<320000xi32, #tpu.memory_space<hbm>>, %arg4: memref<320000xi32, #tpu.memory_space<hbm>>, %arg5: memref<10240x128xf32, #tpu.memory_space<hbm>>, %arg6: memref<2x10240x128xf32, #tpu.memory_space<hbm>>, %arg7: memref<128xi32, #tpu.memory_space<vmem>>, %arg8: memref<128xi32, #tpu.memory_space<vmem>>, %arg9: memref<128x128xf32, #tpu.memory_space<vmem>>, %arg10: memref<10240x128xf32, #tpu.memory_space<vmem_shared>>) attributes {dimension_semantics = [#tpu.dimension_semantics<core_parallel>, #tpu.dimension_semantics<subcore_parallel>], iteration_bounds = array<i64: 2, 16>, scalar_prefetch = 0 : i64, scratch_operands = 4 : i64, tpu.core_type = #tpu.core_type<sc_vector_subcore>, window_params = [{transform_indices = #map}, {transform_indices = #map1}, {transform_indices = #map1}, {transform_indices = #map}, {transform_indices = #map2}]} {
    %mul3A = arith.constant 2 : i32
    %mul3A_0 = arith.muli %arg1, %mul3A : i32
    %add3A = arith.addi %mul3A_0, %arg0 : i32
    %mul3A_1 = arith.constant 640 : i32
    %mul3A_2 = arith.muli %arg1, %mul3A_1 : i32
    "tpu.region"() ({
      %run_scoped3A = tpu.sem_alloc : memref<!tpu.dma_semaphore, #tpu.memory_space<semaphore_mem>>
      %dma_start3A = arith.constant 0 : i32
      %dma_start3A_8 = tpu.memref_slice %arg10[%mul3A_2, %dma_start3A] : memref<10240x128xf32, #tpu.memory_space<vmem_shared>> -> memref<640x128xf32, #tpu.memory_space<vmem_shared>>
      %dma_start3A_9 = arith.constant 0 : i32
      %dma_start3A_10 = tpu.memref_slice %arg5[%mul3A_2, %dma_start3A_9] : memref<10240x128xf32, #tpu.memory_space<hbm>> -> memref<640x128xf32, #tpu.memory_space<hbm>>
      tpu.enqueue_dma source(%dma_start3A_10 : memref<640x128xf32, #tpu.memory_space<hbm>>) target(%dma_start3A_8 : memref<640x128xf32, #tpu.memory_space<vmem_shared>>) target_semaphore(%run_scoped3A : memref<!tpu.dma_semaphore, #tpu.memory_space<semaphore_mem>>)
      %dma_wait3A = arith.constant 0 : i32
      %dma_wait3A_11 = tpu.memref_slice %arg10[%mul3A_2, %dma_wait3A] : memref<10240x128xf32, #tpu.memory_space<vmem_shared>> -> memref<640x128xf32, #tpu.memory_space<vmem_shared>>
      %dma_wait3A_12 = arith.constant 0 : i32
      %dma_wait3A_13 = tpu.memref_slice %arg5[%mul3A_2, %dma_wait3A_12] : memref<10240x128xf32, #tpu.memory_space<hbm>> -> memref<640x128xf32, #tpu.memory_space<hbm>>
      tpu.wait_dma2 semaphore(%run_scoped3A : memref<!tpu.dma_semaphore, #tpu.memory_space<semaphore_mem>>) src(%dma_wait3A_13 : memref<640x128xf32, #tpu.memory_space<hbm>>) dst(%dma_wait3A_11 : memref<640x128xf32, #tpu.memory_space<vmem_shared>>)
      tpu.yield
    }) : () -> ()
    %barrier3A = arith.constant 0 : index
    tpu.barrier barrier_id(%barrier3A)
    %scan3A = arith.constant 0 : i32
    %scan3A_3 = arith.constant 79 : i32
    %scan3A_4 = arith.addi %scan3A, %scan3A_3 : i32
    %scan3A_5 = arith.constant 1 : i32
    scf.for %scan3A_8 = %scan3A to %scan3A_4 step %scan3A_5  : i32 {
      %mul3A_9 = arith.constant 1 : i32
      %mul3A_10 = arith.muli %scan3A_8, %mul3A_9 : i32
      %add3A_11 = arith.constant 0 : i32
      %add3A_12 = arith.addi %add3A_11, %mul3A_10 : i32
      %mul3A_13 = arith.constant 32 : i32
      %mul3A_14 = arith.muli %add3A_12, %mul3A_13 : i32
      %add3A_15 = arith.addi %add3A, %mul3A_14 : i32
      %lt3A = arith.constant 2500 : i32
      %lt3A_16 = arith.cmpi slt, %add3A_15, %lt3A : i32
      %convert_element_type3A = arith.extui %lt3A_16 : i1 to i32
      %cond3A = arith.constant 0 : i32
      %cond3A_17 = arith.cmpi ne, %convert_element_type3A, %cond3A : i32
      scf.if %cond3A_17 {
        %mul3A_18 = arith.constant 128 : i32
        %mul3A_19 = arith.muli %add3A_15, %mul3A_18 : i32
        "tpu.region"() ({
          %run_scoped3A = tpu.sem_alloc : memref<!tpu.dma_semaphore, #tpu.memory_space<semaphore_mem>>
          %dma_start3A = tpu.memref_slice %arg3[%mul3A_19] : memref<320000xi32, #tpu.memory_space<hbm>> -> memref<128xi32, #tpu.memory_space<hbm>>
          %dma_start3A_20 = tpu.memref_slice %arg3[%mul3A_19] : memref<320000xi32, #tpu.memory_space<hbm>> -> memref<128xi32, #tpu.memory_space<hbm>>
          tpu.enqueue_dma source(%dma_start3A_20 : memref<128xi32, #tpu.memory_space<hbm>>) target(%arg7 : memref<128xi32, #tpu.memory_space<vmem>>) target_semaphore(%run_scoped3A : memref<!tpu.dma_semaphore, #tpu.memory_space<semaphore_mem>>)
          %dma_wait3A = tpu.memref_slice %arg3[%mul3A_19] : memref<320000xi32, #tpu.memory_space<hbm>> -> memref<128xi32, #tpu.memory_space<hbm>>
          %dma_wait3A_21 = tpu.memref_slice %arg3[%mul3A_19] : memref<320000xi32, #tpu.memory_space<hbm>> -> memref<128xi32, #tpu.memory_space<hbm>>
          tpu.wait_dma2 semaphore(%run_scoped3A : memref<!tpu.dma_semaphore, #tpu.memory_space<semaphore_mem>>) src(%dma_wait3A_21 : memref<128xi32, #tpu.memory_space<hbm>>) dst(%arg7 : memref<128xi32, #tpu.memory_space<vmem>>)
          tpu.yield
        }) : () -> ()
        "tpu.region"() ({
          %run_scoped3A = tpu.sem_alloc : memref<!tpu.dma_semaphore, #tpu.memory_space<semaphore_mem>>
          %dma_start3A = tpu.memref_slice %arg4[%mul3A_19] : memref<320000xi32, #tpu.memory_space<hbm>> -> memref<128xi32, #tpu.memory_space<hbm>>
          %dma_start3A_20 = tpu.memref_slice %arg4[%mul3A_19] : memref<320000xi32, #tpu.memory_space<hbm>> -> memref<128xi32, #tpu.memory_space<hbm>>
          tpu.enqueue_dma source(%dma_start3A_20 : memref<128xi32, #tpu.memory_space<hbm>>) target(%arg8 : memref<128xi32, #tpu.memory_space<vmem>>) target_semaphore(%run_scoped3A : memref<!tpu.dma_semaphore, #tpu.memory_space<semaphore_mem>>)
          %dma_wait3A = tpu.memref_slice %arg4[%mul3A_19] : memref<320000xi32, #tpu.memory_space<hbm>> -> memref<128xi32, #tpu.memory_space<hbm>>
          %dma_wait3A_21 = tpu.memref_slice %arg4[%mul3A_19] : memref<320000xi32, #tpu.memory_space<hbm>> -> memref<128xi32, #tpu.memory_space<hbm>>
          tpu.wait_dma2 semaphore(%run_scoped3A : memref<!tpu.dma_semaphore, #tpu.memory_space<semaphore_mem>>) src(%dma_wait3A_21 : memref<128xi32, #tpu.memory_space<hbm>>) dst(%arg8 : memref<128xi32, #tpu.memory_space<vmem>>)
          tpu.yield
        }) : () -> ()
        "tpu.region"() ({
          %run_scoped3A = tpu.sem_alloc : memref<!tpu.dma_semaphore, #tpu.memory_space<semaphore_mem>>
          %dma_start3A = arith.constant 0 : i32
          %dma_start3A_20 = arith.constant 0 : i32
          %dma_start3A_21 = tpu.memref_slice %arg2[%dma_start3A, %dma_start3A_20] : memref<10000x128xf32, #tpu.memory_space<hbm>> -> memref<10000x128xf32, #tpu.memory_space<hbm>>
          tpu.enqueue_indirect_dma source(%dma_start3A_21 : memref<10000x128xf32, #tpu.memory_space<hbm>>) target(%arg9 : memref<128x128xf32, #tpu.memory_space<vmem>>) offsets(%arg7 : memref<128xi32, #tpu.memory_space<vmem>>) semaphore(%run_scoped3A : memref<!tpu.dma_semaphore, #tpu.memory_space<semaphore_mem>>)
          %dma_wait3A = arith.constant 0 : i32
          %dma_wait3A_22 = arith.constant 0 : i32
          %dma_wait3A_23 = tpu.memref_slice %arg2[%dma_wait3A, %dma_wait3A_22] : memref<10000x128xf32, #tpu.memory_space<hbm>> -> memref<10000x128xf32, #tpu.memory_space<hbm>>
          tpu.wait_indirect_dma semaphore(%run_scoped3A : memref<!tpu.dma_semaphore, #tpu.memory_space<semaphore_mem>>) src(%dma_wait3A_23 : memref<10000x128xf32, #tpu.memory_space<hbm>>) dst(%arg9 : memref<128x128xf32, #tpu.memory_space<vmem>>)
          tpu.yield
        }) : () -> ()
        "tpu.region"() ({
          %run_scoped3A = tpu.sem_alloc : memref<!tpu.dma_semaphore, #tpu.memory_space<semaphore_mem>>
          %dma_start3A = arith.constant 0 : i32
          %dma_start3A_20 = arith.constant 0 : i32
          %dma_start3A_21 = tpu.memref_slice %arg10[%dma_start3A, %dma_start3A_20] : memref<10240x128xf32, #tpu.memory_space<vmem_shared>> -> memref<10240x128xf32, #tpu.memory_space<vmem_shared>>
          tpu.enqueue_indirect_dma source(%arg9 : memref<128x128xf32, #tpu.memory_space<vmem>>) target(%dma_start3A_21 : memref<10240x128xf32, #tpu.memory_space<vmem_shared>>) offsets(%arg8 : memref<128xi32, #tpu.memory_space<vmem>>) semaphore(%run_scoped3A : memref<!tpu.dma_semaphore, #tpu.memory_space<semaphore_mem>>) {add = true}
          %dma_wait3A = arith.constant 0 : i32
          %dma_wait3A_22 = arith.constant 0 : i32
          %dma_wait3A_23 = tpu.memref_slice %arg10[%dma_wait3A, %dma_wait3A_22] : memref<10240x128xf32, #tpu.memory_space<vmem_shared>> -> memref<10240x128xf32, #tpu.memory_space<vmem_shared>>
          tpu.wait_indirect_dma semaphore(%run_scoped3A : memref<!tpu.dma_semaphore, #tpu.memory_space<semaphore_mem>>) src(%arg9 : memref<128x128xf32, #tpu.memory_space<vmem>>) dst(%dma_wait3A_23 : memref<10240x128xf32, #tpu.memory_space<vmem_shared>>)
          tpu.yield
        }) : () -> ()
      } else {
      }
    }
    %scan3A_6 = arith.constant 79 : i32
    %barrier3A_7 = arith.constant 0 : index
    tpu.barrier barrier_id(%barrier3A_7)
    "tpu.region"() ({
      %run_scoped3A = tpu.sem_alloc : memref<!tpu.dma_semaphore, #tpu.memory_space<semaphore_mem>>
      %dma_start3A = arith.constant 0 : i32
      %dma_start3A_8 = tpu.memref_slice %arg6[%arg0, %mul3A_2, %dma_start3A] : memref<2x10240x128xf32, #tpu.memory_space<hbm>> -> memref<1x640x128xf32, #tpu.memory_space<hbm>>
      %dma_start3A_9 = tpu.memref_squeeze %dma_start3A_8 : memref<1x640x128xf32, #tpu.memory_space<hbm>> -> memref<640x128xf32, #tpu.memory_space<hbm>>
      %dma_start3A_10 = arith.constant 0 : i32
      %dma_start3A_11 = tpu.memref_slice %arg10[%mul3A_2, %dma_start3A_10] : memref<10240x128xf32, #tpu.memory_space<vmem_shared>> -> memref<640x128xf32, #tpu.memory_space<vmem_shared>>
      tpu.enqueue_dma source(%dma_start3A_11 : memref<640x128xf32, #tpu.memory_space<vmem_shared>>) target(%dma_start3A_9 : memref<640x128xf32, #tpu.memory_space<hbm>>) target_semaphore(%run_scoped3A : memref<!tpu.dma_semaphore, #tpu.memory_space<semaphore_mem>>)
      %dma_wait3A = arith.constant 0 : i32
      %dma_wait3A_12 = tpu.memref_slice %arg6[%arg0, %mul3A_2, %dma_wait3A] : memref<2x10240x128xf32, #tpu.memory_space<hbm>> -> memref<1x640x128xf32, #tpu.memory_space<hbm>>
      %dma_wait3A_13 = tpu.memref_squeeze %dma_wait3A_12 : memref<1x640x128xf32, #tpu.memory_space<hbm>> -> memref<640x128xf32, #tpu.memory_space<hbm>>
      %dma_wait3A_14 = arith.constant 0 : i32
      %dma_wait3A_15 = tpu.memref_slice %arg10[%mul3A_2, %dma_wait3A_14] : memref<10240x128xf32, #tpu.memory_space<vmem_shared>> -> memref<640x128xf32, #tpu.memory_space<vmem_shared>>
      tpu.wait_dma2 semaphore(%run_scoped3A : memref<!tpu.dma_semaphore, #tpu.memory_space<semaphore_mem>>) src(%dma_wait3A_15 : memref<640x128xf32, #tpu.memory_space<vmem_shared>>) dst(%dma_wait3A_13 : memref<640x128xf32, #tpu.memory_space<hbm>>)
      tpu.yield
    }) : () -> ()
    return
  }
}

#map = affine_map<(d0, d1) -> (0, 0)>
#map1 = affine_map<(d0, d1) -> (0)>
#map2 = affine_map<(d0, d1) -> (0, 0, 0)>
module attributes {stable_mosaic.version = 14 : i64} {
  func.func @body(%arg0: i32, %arg1: i32, %arg2: memref<10000x128xf32, #tpu.memory_space<hbm>>, %arg3: memref<320000xi32, #tpu.memory_space<hbm>>, %arg4: memref<320000xi32, #tpu.memory_space<hbm>>, %arg5: memref<10240x128xf32, #tpu.memory_space<hbm>>, %arg6: memref<2x10240x128xf32, #tpu.memory_space<hbm>>, %arg7: memref<128xi32, #tpu.memory_space<vmem>>, %arg8: memref<128xi32, #tpu.memory_space<vmem>>, %arg9: memref<128x128xf32, #tpu.memory_space<vmem>>, %arg10: memref<10240x128xf32, #tpu.memory_space<vmem_shared>>) attributes {dimension_semantics = [#tpu.dimension_semantics<core_parallel>, #tpu.dimension_semantics<subcore_parallel>], iteration_bounds = array<i64: 2, 16>, scalar_prefetch = 0 : i64, scratch_operands = 4 : i64, tpu.core_type = #tpu.core_type<sc_vector_subcore>, window_params = [{transform_indices = #map}, {transform_indices = #map1}, {transform_indices = #map1}, {transform_indices = #map}, {transform_indices = #map2}]} {
    %mul3A = arith.constant 2 : i32
    %mul3A_0 = arith.muli %arg1, %mul3A : i32
    %add3A = arith.addi %mul3A_0, %arg0 : i32
    %mul3A_1 = arith.constant 640 : i32
    %mul3A_2 = arith.muli %arg1, %mul3A_1 : i32
    "tpu.region"() ({
      %run_scoped3A = tpu.sem_alloc : memref<!tpu.dma_semaphore, #tpu.memory_space<semaphore_mem>>
      %dma_start3A = arith.constant 0 : i32
      %dma_start3A_8 = tpu.memref_slice %arg10[%mul3A_2, %dma_start3A] : memref<10240x128xf32, #tpu.memory_space<vmem_shared>> -> memref<640x128xf32, #tpu.memory_space<vmem_shared>>
      %dma_start3A_9 = arith.constant 0 : i32
      %dma_start3A_10 = tpu.memref_slice %arg5[%mul3A_2, %dma_start3A_9] : memref<10240x128xf32, #tpu.memory_space<hbm>> -> memref<640x128xf32, #tpu.memory_space<hbm>>
      tpu.enqueue_dma source(%dma_start3A_10 : memref<640x128xf32, #tpu.memory_space<hbm>>) target(%dma_start3A_8 : memref<640x128xf32, #tpu.memory_space<vmem_shared>>) target_semaphore(%run_scoped3A : memref<!tpu.dma_semaphore, #tpu.memory_space<semaphore_mem>>)
      %dma_wait3A = arith.constant 0 : i32
      %dma_wait3A_11 = tpu.memref_slice %arg10[%mul3A_2, %dma_wait3A] : memref<10240x128xf32, #tpu.memory_space<vmem_shared>> -> memref<640x128xf32, #tpu.memory_space<vmem_shared>>
      %dma_wait3A_12 = arith.constant 0 : i32
      %dma_wait3A_13 = tpu.memref_slice %arg5[%mul3A_2, %dma_wait3A_12] : memref<10240x128xf32, #tpu.memory_space<hbm>> -> memref<640x128xf32, #tpu.memory_space<hbm>>
      tpu.wait_dma2 semaphore(%run_scoped3A : memref<!tpu.dma_semaphore, #tpu.memory_space<semaphore_mem>>) src(%dma_wait3A_13 : memref<640x128xf32, #tpu.memory_space<hbm>>) dst(%dma_wait3A_11 : memref<640x128xf32, #tpu.memory_space<vmem_shared>>)
      tpu.yield
    }) : () -> ()
    %barrier3A = arith.constant 0 : index
    tpu.barrier barrier_id(%barrier3A)
    %scan3A = arith.constant 0 : i32
    %scan3A_3 = arith.constant 79 : i32
    %scan3A_4 = arith.addi %scan3A, %scan3A_3 : i32
    %scan3A_5 = arith.constant 1 : i32
    scf.for %scan3A_8 = %scan3A to %scan3A_4 step %scan3A_5  : i32 {
      %mul3A_9 = arith.constant 1 : i32
      %mul3A_10 = arith.muli %scan3A_8, %mul3A_9 : i32
      %add3A_11 = arith.constant 0 : i32
      %add3A_12 = arith.addi %add3A_11, %mul3A_10 : i32
      %mul3A_13 = arith.constant 32 : i32
      %mul3A_14 = arith.muli %add3A_12, %mul3A_13 : i32
      %add3A_15 = arith.addi %add3A, %mul3A_14 : i32
      %lt3A = arith.constant 2500 : i32
      %lt3A_16 = arith.cmpi slt, %add3A_15, %lt3A : i32
      %convert_element_type3A = arith.extui %lt3A_16 : i1 to i32
      %cond3A = arith.constant 0 : i32
      %cond3A_17 = arith.cmpi ne, %convert_element_type3A, %cond3A : i32
      scf.if %cond3A_17 {
        %mul3A_18 = arith.constant 128 : i32
        %mul3A_19 = arith.muli %add3A_15, %mul3A_18 : i32
        "tpu.region"() ({
          %run_scoped3A = tpu.sem_alloc : memref<!tpu.dma_semaphore, #tpu.memory_space<semaphore_mem>>
          %dma_start3A = tpu.memref_slice %arg3[%mul3A_19] : memref<320000xi32, #tpu.memory_space<hbm>> -> memref<128xi32, #tpu.memory_space<hbm>>
          %dma_start3A_20 = tpu.memref_slice %arg3[%mul3A_19] : memref<320000xi32, #tpu.memory_space<hbm>> -> memref<128xi32, #tpu.memory_space<hbm>>
          tpu.enqueue_dma source(%dma_start3A_20 : memref<128xi32, #tpu.memory_space<hbm>>) target(%arg7 : memref<128xi32, #tpu.memory_space<vmem>>) target_semaphore(%run_scoped3A : memref<!tpu.dma_semaphore, #tpu.memory_space<semaphore_mem>>)
          %dma_wait3A = tpu.memref_slice %arg3[%mul3A_19] : memref<320000xi32, #tpu.memory_space<hbm>> -> memref<128xi32, #tpu.memory_space<hbm>>
          %dma_wait3A_21 = tpu.memref_slice %arg3[%mul3A_19] : memref<320000xi32, #tpu.memory_space<hbm>> -> memref<128xi32, #tpu.memory_space<hbm>>
          tpu.wait_dma2 semaphore(%run_scoped3A : memref<!tpu.dma_semaphore, #tpu.memory_space<semaphore_mem>>) src(%dma_wait3A_21 : memref<128xi32, #tpu.memory_space<hbm>>) dst(%arg7 : memref<128xi32, #tpu.memory_space<vmem>>)
          tpu.yield
        }) : () -> ()
        "tpu.region"() ({
          %run_scoped3A = tpu.sem_alloc : memref<!tpu.dma_semaphore, #tpu.memory_space<semaphore_mem>>
          %dma_start3A = tpu.memref_slice %arg4[%mul3A_19] : memref<320000xi32, #tpu.memory_space<hbm>> -> memref<128xi32, #tpu.memory_space<hbm>>
          %dma_start3A_20 = tpu.memref_slice %arg4[%mul3A_19] : memref<320000xi32, #tpu.memory_space<hbm>> -> memref<128xi32, #tpu.memory_space<hbm>>
          tpu.enqueue_dma source(%dma_start3A_20 : memref<128xi32, #tpu.memory_space<hbm>>) target(%arg8 : memref<128xi32, #tpu.memory_space<vmem>>) target_semaphore(%run_scoped3A : memref<!tpu.dma_semaphore, #tpu.memory_space<semaphore_mem>>)
          %dma_wait3A = tpu.memref_slice %arg4[%mul3A_19] : memref<320000xi32, #tpu.memory_space<hbm>> -> memref<128xi32, #tpu.memory_space<hbm>>
          %dma_wait3A_21 = tpu.memref_slice %arg4[%mul3A_19] : memref<320000xi32, #tpu.memory_space<hbm>> -> memref<128xi32, #tpu.memory_space<hbm>>
          tpu.wait_dma2 semaphore(%run_scoped3A : memref<!tpu.dma_semaphore, #tpu.memory_space<semaphore_mem>>) src(%dma_wait3A_21 : memref<128xi32, #tpu.memory_space<hbm>>) dst(%arg8 : memref<128xi32, #tpu.memory_space<vmem>>)
          tpu.yield
        }) : () -> ()
        "tpu.region"() ({
          %run_scoped3A = tpu.sem_alloc : memref<!tpu.dma_semaphore, #tpu.memory_space<semaphore_mem>>
          %dma_start3A = arith.constant 0 : i32
          %dma_start3A_20 = arith.constant 0 : i32
          %dma_start3A_21 = tpu.memref_slice %arg2[%dma_start3A, %dma_start3A_20] : memref<10000x128xf32, #tpu.memory_space<hbm>> -> memref<10000x128xf32, #tpu.memory_space<hbm>>
          tpu.enqueue_indirect_dma source(%dma_start3A_21 : memref<10000x128xf32, #tpu.memory_space<hbm>>) target(%arg9 : memref<128x128xf32, #tpu.memory_space<vmem>>) offsets(%arg7 : memref<128xi32, #tpu.memory_space<vmem>>) semaphore(%run_scoped3A : memref<!tpu.dma_semaphore, #tpu.memory_space<semaphore_mem>>)
          %dma_wait3A = arith.constant 0 : i32
          %dma_wait3A_22 = arith.constant 0 : i32
          %dma_wait3A_23 = tpu.memref_slice %arg2[%dma_wait3A, %dma_wait3A_22] : memref<10000x128xf32, #tpu.memory_space<hbm>> -> memref<10000x128xf32, #tpu.memory_space<hbm>>
          tpu.wait_indirect_dma semaphore(%run_scoped3A : memref<!tpu.dma_semaphore, #tpu.memory_space<semaphore_mem>>) src(%dma_wait3A_23 : memref<10000x128xf32, #tpu.memory_space<hbm>>) dst(%arg9 : memref<128x128xf32, #tpu.memory_space<vmem>>)
          tpu.yield
        }) : () -> ()
        "tpu.region"() ({
          %run_scoped3A = tpu.sem_alloc : memref<!tpu.dma_semaphore, #tpu.memory_space<semaphore_mem>>
          %dma_start3A = arith.constant 0 : i32
          %dma_start3A_20 = arith.constant 0 : i32
          %dma_start3A_21 = tpu.memref_slice %arg10[%dma_start3A, %dma_start3A_20] : memref<10240x128xf32, #tpu.memory_space<vmem_shared>> -> memref<10240x128xf32, #tpu.memory_space<vmem_shared>>
          tpu.enqueue_indirect_dma source(%arg9 : memref<128x128xf32, #tpu.memory_space<vmem>>) target(%dma_start3A_21 : memref<10240x128xf32, #tpu.memory_space<vmem_shared>>) offsets(%arg8 : memref<128xi32, #tpu.memory_space<vmem>>) semaphore(%run_scoped3A : memref<!tpu.dma_semaphore, #tpu.memory_space<semaphore_mem>>) {add = true}
          %dma_wait3A = arith.constant 0 : i32
          %dma_wait3A_22 = arith.constant 0 : i32
          %dma_wait3A_23 = tpu.memref_slice %arg10[%dma_wait3A, %dma_wait3A_22] : memref<10240x128xf32, #tpu.memory_space<vmem_shared>> -> memref<10240x128xf32, #tpu.memory_space<vmem_shared>>
          tpu.wait_indirect_dma semaphore(%run_scoped3A : memref<!tpu.dma_semaphore, #tpu.memory_space<semaphore_mem>>) src(%arg9 : memref<128x128xf32, #tpu.memory_space<vmem>>) dst(%dma_wait3A_23 : memref<10240x128xf32, #tpu.memory_space<vmem_shared>>)
          tpu.yield
        }) : () -> ()
      } else {
      }
    }
    %scan3A_6 = arith.constant 79 : i32
    %barrier3A_7 = arith.constant 0 : index
    tpu.barrier barrier_id(%barrier3A_7)
    "tpu.region"() ({
      %run_scoped3A = tpu.sem_alloc : memref<!tpu.dma_semaphore, #tpu.memory_space<semaphore_mem>>
      %dma_start3A = arith.constant 0 : i32
      %dma_start3A_8 = tpu.memref_slice %arg6[%arg0, %mul3A_2, %dma_start3A] : memref<2x10240x128xf32, #tpu.memory_space<hbm>> -> memref<1x640x128xf32, #tpu.memory_space<hbm>>
      %dma_start3A_9 = tpu.memref_squeeze %dma_start3A_8 : memref<1x640x128xf32, #tpu.memory_space<hbm>> -> memref<640x128xf32, #tpu.memory_space<hbm>>
      %dma_start3A_10 = arith.constant 0 : i32
      %dma_start3A_11 = tpu.memref_slice %arg10[%mul3A_2, %dma_start3A_10] : memref<10240x128xf32, #tpu.memory_space<vmem_shared>> -> memref<640x128xf32, #tpu.memory_space<vmem_shared>>
      tpu.enqueue_dma source(%dma_start3A_11 : memref<640x128xf32, #tpu.memory_space<vmem_shared>>) target(%dma_start3A_9 : memref<640x128xf32, #tpu.memory_space<hbm>>) target_semaphore(%run_scoped3A : memref<!tpu.dma_semaphore, #tpu.memory_space<semaphore_mem>>)
      %dma_wait3A = arith.constant 0 : i32
      %dma_wait3A_12 = tpu.memref_slice %arg6[%arg0, %mul3A_2, %dma_wait3A] : memref<2x10240x128xf32, #tpu.memory_space<hbm>> -> memref<1x640x128xf32, #tpu.memory_space<hbm>>
      %dma_wait3A_13 = tpu.memref_squeeze %dma_wait3A_12 : memref<1x640x128xf32, #tpu.memory_space<hbm>> -> memref<640x128xf32, #tpu.memory_space<hbm>>
      %dma_wait3A_14 = arith.constant 0 : i32
      %dma_wait3A_15 = tpu.memref_slice %arg10[%mul3A_2, %dma_wait3A_14] : memref<10240x128xf32, #tpu.memory_space<vmem_shared>> -> memref<640x128xf32, #tpu.memory_space<vmem_shared>>
      tpu.wait_dma2 semaphore(%run_scoped3A : memref<!tpu.dma_semaphore, #tpu.memory_space<semaphore_mem>>) src(%dma_wait3A_15 : memref<640x128xf32, #tpu.memory_space<vmem_shared>>) dst(%dma_wait3A_13 : memref<640x128xf32, #tpu.memory_space<hbm>>)
      tpu.yield
    }) : () -> ()
    return
  }
}

#map = affine_map<(d0, d1) -> (0)>
module attributes {stable_mosaic.version = 14 : i64} {
  func.func @body(%arg0: i32, %arg1: i32, %arg2: memref<320000xi32, #tpu.memory_space<hbm>>, %arg3: memref<320000xi32, #tpu.memory_space<hbm>>, %arg4: memref<10240xf32, #tpu.memory_space<hbm>>, %arg5: memref<128xf32, #tpu.memory_space<hbm>>, %arg6: memref<20480xf32, #tpu.memory_space<hbm>>, %arg7: memref<20480xf32, #tpu.memory_space<hbm>>, %arg8: memref<128xi32, #tpu.memory_space<vmem>>, %arg9: memref<128xi32, #tpu.memory_space<vmem>>, %arg10: memref<128xf32, #tpu.memory_space<vmem>>, %arg11: memref<10240xf32, #tpu.memory_space<vmem_shared>>, %arg12: memref<10240xf32, #tpu.memory_space<vmem_shared>>) attributes {dimension_semantics = [#tpu.dimension_semantics<core_parallel>, #tpu.dimension_semantics<subcore_parallel>], iteration_bounds = array<i64: 2, 16>, scalar_prefetch = 0 : i64, scratch_operands = 5 : i64, tpu.core_type = #tpu.core_type<sc_vector_subcore>, window_params = [{transform_indices = #map}, {transform_indices = #map}, {transform_indices = #map}, {transform_indices = #map}, {transform_indices = #map}, {transform_indices = #map}]} {
    %mul3A = arith.constant 2 : i32
    %mul3A_0 = arith.muli %arg1, %mul3A : i32
    %add3A = arith.addi %mul3A_0, %arg0 : i32
    %mul3A_1 = arith.constant 640 : i32
    %mul3A_2 = arith.muli %arg1, %mul3A_1 : i32
    "tpu.region"() ({
      %run_scoped3A = tpu.sem_alloc : memref<!tpu.dma_semaphore, #tpu.memory_space<semaphore_mem>>
      %dma_start3A = tpu.memref_slice %arg11[%mul3A_2] : memref<10240xf32, #tpu.memory_space<vmem_shared>> -> memref<640xf32, #tpu.memory_space<vmem_shared>>
      %dma_start3A_11 = tpu.memref_slice %arg4[%mul3A_2] : memref<10240xf32, #tpu.memory_space<hbm>> -> memref<640xf32, #tpu.memory_space<hbm>>
      tpu.enqueue_dma source(%dma_start3A_11 : memref<640xf32, #tpu.memory_space<hbm>>) target(%dma_start3A : memref<640xf32, #tpu.memory_space<vmem_shared>>) target_semaphore(%run_scoped3A : memref<!tpu.dma_semaphore, #tpu.memory_space<semaphore_mem>>)
      %dma_wait3A = tpu.memref_slice %arg11[%mul3A_2] : memref<10240xf32, #tpu.memory_space<vmem_shared>> -> memref<640xf32, #tpu.memory_space<vmem_shared>>
      %dma_wait3A_12 = tpu.memref_slice %arg4[%mul3A_2] : memref<10240xf32, #tpu.memory_space<hbm>> -> memref<640xf32, #tpu.memory_space<hbm>>
      tpu.wait_dma2 semaphore(%run_scoped3A : memref<!tpu.dma_semaphore, #tpu.memory_space<semaphore_mem>>) src(%dma_wait3A_12 : memref<640xf32, #tpu.memory_space<hbm>>) dst(%dma_wait3A : memref<640xf32, #tpu.memory_space<vmem_shared>>)
      tpu.yield
    }) : () -> ()
    "tpu.region"() ({
      %run_scoped3A = tpu.sem_alloc : memref<!tpu.dma_semaphore, #tpu.memory_space<semaphore_mem>>
      %dma_start3A = tpu.memref_slice %arg12[%mul3A_2] : memref<10240xf32, #tpu.memory_space<vmem_shared>> -> memref<640xf32, #tpu.memory_space<vmem_shared>>
      %dma_start3A_11 = tpu.memref_slice %arg4[%mul3A_2] : memref<10240xf32, #tpu.memory_space<hbm>> -> memref<640xf32, #tpu.memory_space<hbm>>
      tpu.enqueue_dma source(%dma_start3A_11 : memref<640xf32, #tpu.memory_space<hbm>>) target(%dma_start3A : memref<640xf32, #tpu.memory_space<vmem_shared>>) target_semaphore(%run_scoped3A : memref<!tpu.dma_semaphore, #tpu.memory_space<semaphore_mem>>)
      %dma_wait3A = tpu.memref_slice %arg12[%mul3A_2] : memref<10240xf32, #tpu.memory_space<vmem_shared>> -> memref<640xf32, #tpu.memory_space<vmem_shared>>
      %dma_wait3A_12 = tpu.memref_slice %arg4[%mul3A_2] : memref<10240xf32, #tpu.memory_space<hbm>> -> memref<640xf32, #tpu.memory_space<hbm>>
      tpu.wait_dma2 semaphore(%run_scoped3A : memref<!tpu.dma_semaphore, #tpu.memory_space<semaphore_mem>>) src(%dma_wait3A_12 : memref<640xf32, #tpu.memory_space<hbm>>) dst(%dma_wait3A : memref<640xf32, #tpu.memory_space<vmem_shared>>)
      tpu.yield
    }) : () -> ()
    "tpu.region"() ({
      %run_scoped3A = tpu.sem_alloc : memref<!tpu.dma_semaphore, #tpu.memory_space<semaphore_mem>>
      tpu.enqueue_dma source(%arg5 : memref<128xf32, #tpu.memory_space<hbm>>) target(%arg10 : memref<128xf32, #tpu.memory_space<vmem>>) target_semaphore(%run_scoped3A : memref<!tpu.dma_semaphore, #tpu.memory_space<semaphore_mem>>)
      tpu.wait_dma2 semaphore(%run_scoped3A : memref<!tpu.dma_semaphore, #tpu.memory_space<semaphore_mem>>) src(%arg5 : memref<128xf32, #tpu.memory_space<hbm>>) dst(%arg10 : memref<128xf32, #tpu.memory_space<vmem>>)
      tpu.yield
    }) : () -> ()
    %barrier3A = arith.constant 0 : index
    tpu.barrier barrier_id(%barrier3A)
    %scan3A = arith.constant 0 : i32
    %scan3A_3 = arith.constant 79 : i32
    %scan3A_4 = arith.addi %scan3A, %scan3A_3 : i32
    %scan3A_5 = arith.constant 1 : i32
    scf.for %scan3A_11 = %scan3A to %scan3A_4 step %scan3A_5  : i32 {
      %mul3A_12 = arith.constant 1 : i32
      %mul3A_13 = arith.muli %scan3A_11, %mul3A_12 : i32
      %add3A_14 = arith.constant 0 : i32
      %add3A_15 = arith.addi %add3A_14, %mul3A_13 : i32
      %mul3A_16 = arith.constant 32 : i32
      %mul3A_17 = arith.muli %add3A_15, %mul3A_16 : i32
      %add3A_18 = arith.addi %add3A, %mul3A_17 : i32
      %lt3A = arith.constant 2500 : i32
      %lt3A_19 = arith.cmpi slt, %add3A_18, %lt3A : i32
      %convert_element_type3A = arith.extui %lt3A_19 : i1 to i32
      %cond3A = arith.constant 0 : i32
      %cond3A_20 = arith.cmpi ne, %convert_element_type3A, %cond3A : i32
      scf.if %cond3A_20 {
        %mul3A_21 = arith.constant 128 : i32
        %mul3A_22 = arith.muli %add3A_18, %mul3A_21 : i32
        "tpu.region"() ({
          %run_scoped3A = tpu.sem_alloc : memref<!tpu.dma_semaphore, #tpu.memory_space<semaphore_mem>>
          %dma_start3A = tpu.memref_slice %arg2[%mul3A_22] : memref<320000xi32, #tpu.memory_space<hbm>> -> memref<128xi32, #tpu.memory_space<hbm>>
          %dma_start3A_23 = tpu.memref_slice %arg2[%mul3A_22] : memref<320000xi32, #tpu.memory_space<hbm>> -> memref<128xi32, #tpu.memory_space<hbm>>
          tpu.enqueue_dma source(%dma_start3A_23 : memref<128xi32, #tpu.memory_space<hbm>>) target(%arg8 : memref<128xi32, #tpu.memory_space<vmem>>) target_semaphore(%run_scoped3A : memref<!tpu.dma_semaphore, #tpu.memory_space<semaphore_mem>>)
          %dma_wait3A = tpu.memref_slice %arg2[%mul3A_22] : memref<320000xi32, #tpu.memory_space<hbm>> -> memref<128xi32, #tpu.memory_space<hbm>>
          %dma_wait3A_24 = tpu.memref_slice %arg2[%mul3A_22] : memref<320000xi32, #tpu.memory_space<hbm>> -> memref<128xi32, #tpu.memory_space<hbm>>
          tpu.wait_dma2 semaphore(%run_scoped3A : memref<!tpu.dma_semaphore, #tpu.memory_space<semaphore_mem>>) src(%dma_wait3A_24 : memref<128xi32, #tpu.memory_space<hbm>>) dst(%arg8 : memref<128xi32, #tpu.memory_space<vmem>>)
          tpu.yield
        }) : () -> ()
        "tpu.region"() ({
          %run_scoped3A = tpu.sem_alloc : memref<!tpu.dma_semaphore, #tpu.memory_space<semaphore_mem>>
          %dma_start3A = tpu.memref_slice %arg3[%mul3A_22] : memref<320000xi32, #tpu.memory_space<hbm>> -> memref<128xi32, #tpu.memory_space<hbm>>
          %dma_start3A_23 = tpu.memref_slice %arg3[%mul3A_22] : memref<320000xi32, #tpu.memory_space<hbm>> -> memref<128xi32, #tpu.memory_space<hbm>>
          tpu.enqueue_dma source(%dma_start3A_23 : memref<128xi32, #tpu.memory_space<hbm>>) target(%arg9 : memref<128xi32, #tpu.memory_space<vmem>>) target_semaphore(%run_scoped3A : memref<!tpu.dma_semaphore, #tpu.memory_space<semaphore_mem>>)
          %dma_wait3A = tpu.memref_slice %arg3[%mul3A_22] : memref<320000xi32, #tpu.memory_space<hbm>> -> memref<128xi32, #tpu.memory_space<hbm>>
          %dma_wait3A_24 = tpu.memref_slice %arg3[%mul3A_22] : memref<320000xi32, #tpu.memory_space<hbm>> -> memref<128xi32, #tpu.memory_space<hbm>>
          tpu.wait_dma2 semaphore(%run_scoped3A : memref<!tpu.dma_semaphore, #tpu.memory_space<semaphore_mem>>) src(%dma_wait3A_24 : memref<128xi32, #tpu.memory_space<hbm>>) dst(%arg9 : memref<128xi32, #tpu.memory_space<vmem>>)
          tpu.yield
        }) : () -> ()
        "tpu.region"() ({
          %run_scoped3A = tpu.sem_alloc : memref<!tpu.dma_semaphore, #tpu.memory_space<semaphore_mem>>
          %dma_start3A = arith.constant 0 : i32
          %dma_start3A_23 = tpu.memref_slice %arg11[%dma_start3A] : memref<10240xf32, #tpu.memory_space<vmem_shared>> -> memref<10240xf32, #tpu.memory_space<vmem_shared>>
          tpu.enqueue_indirect_dma source(%arg10 : memref<128xf32, #tpu.memory_space<vmem>>) target(%dma_start3A_23 : memref<10240xf32, #tpu.memory_space<vmem_shared>>) offsets(%arg8 : memref<128xi32, #tpu.memory_space<vmem>>) semaphore(%run_scoped3A : memref<!tpu.dma_semaphore, #tpu.memory_space<semaphore_mem>>) {add = true}
          %dma_wait3A = arith.constant 0 : i32
          %dma_wait3A_24 = tpu.memref_slice %arg11[%dma_wait3A] : memref<10240xf32, #tpu.memory_space<vmem_shared>> -> memref<10240xf32, #tpu.memory_space<vmem_shared>>
          tpu.wait_indirect_dma semaphore(%run_scoped3A : memref<!tpu.dma_semaphore, #tpu.memory_space<semaphore_mem>>) src(%arg10 : memref<128xf32, #tpu.memory_space<vmem>>) dst(%dma_wait3A_24 : memref<10240xf32, #tpu.memory_space<vmem_shared>>)
          tpu.yield
        }) : () -> ()
        "tpu.region"() ({
          %run_scoped3A = tpu.sem_alloc : memref<!tpu.dma_semaphore, #tpu.memory_space<semaphore_mem>>
          %dma_start3A = arith.constant 0 : i32
          %dma_start3A_23 = tpu.memref_slice %arg12[%dma_start3A] : memref<10240xf32, #tpu.memory_space<vmem_shared>> -> memref<10240xf32, #tpu.memory_space<vmem_shared>>
          tpu.enqueue_indirect_dma source(%arg10 : memref<128xf32, #tpu.memory_space<vmem>>) target(%dma_start3A_23 : memref<10240xf32, #tpu.memory_space<vmem_shared>>) offsets(%arg9 : memref<128xi32, #tpu.memory_space<vmem>>) semaphore(%run_scoped3A : memref<!tpu.dma_semaphore, #tpu.memory_space<semaphore_mem>>) {add = true}
          %dma_wait3A = arith.constant 0 : i32
          %dma_wait3A_24 = tpu.memref_slice %arg12[%dma_wait3A] : memref<10240xf32, #tpu.memory_space<vmem_shared>> -> memref<10240xf32, #tpu.memory_space<vmem_shared>>
          tpu.wait_indirect_dma semaphore(%run_scoped3A : memref<!tpu.dma_semaphore, #tpu.memory_space<semaphore_mem>>) src(%arg10 : memref<128xf32, #tpu.memory_space<vmem>>) dst(%dma_wait3A_24 : memref<10240xf32, #tpu.memory_space<vmem_shared>>)
          tpu.yield
        }) : () -> ()
      } else {
      }
    }
    %scan3A_6 = arith.constant 79 : i32
    %barrier3A_7 = arith.constant 0 : index
    tpu.barrier barrier_id(%barrier3A_7)
    %mul3A_8 = arith.constant 10240 : i32
    %mul3A_9 = arith.muli %arg0, %mul3A_8 : i32
    %add3A_10 = arith.addi %mul3A_9, %mul3A_2 : i32
    "tpu.region"() ({
      %run_scoped3A = tpu.sem_alloc : memref<!tpu.dma_semaphore, #tpu.memory_space<semaphore_mem>>
      %dma_start3A = tpu.memref_slice %arg6[%add3A_10] : memref<20480xf32, #tpu.memory_space<hbm>> -> memref<640xf32, #tpu.memory_space<hbm>>
      %dma_start3A_11 = tpu.memref_slice %arg11[%mul3A_2] : memref<10240xf32, #tpu.memory_space<vmem_shared>> -> memref<640xf32, #tpu.memory_space<vmem_shared>>
      tpu.enqueue_dma source(%dma_start3A_11 : memref<640xf32, #tpu.memory_space<vmem_shared>>) target(%dma_start3A : memref<640xf32, #tpu.memory_space<hbm>>) target_semaphore(%run_scoped3A : memref<!tpu.dma_semaphore, #tpu.memory_space<semaphore_mem>>)
      %dma_wait3A = tpu.memref_slice %arg6[%add3A_10] : memref<20480xf32, #tpu.memory_space<hbm>> -> memref<640xf32, #tpu.memory_space<hbm>>
      %dma_wait3A_12 = tpu.memref_slice %arg11[%mul3A_2] : memref<10240xf32, #tpu.memory_space<vmem_shared>> -> memref<640xf32, #tpu.memory_space<vmem_shared>>
      tpu.wait_dma2 semaphore(%run_scoped3A : memref<!tpu.dma_semaphore, #tpu.memory_space<semaphore_mem>>) src(%dma_wait3A_12 : memref<640xf32, #tpu.memory_space<vmem_shared>>) dst(%dma_wait3A : memref<640xf32, #tpu.memory_space<hbm>>)
      tpu.yield
    }) : () -> ()
    "tpu.region"() ({
      %run_scoped3A = tpu.sem_alloc : memref<!tpu.dma_semaphore, #tpu.memory_space<semaphore_mem>>
      %dma_start3A = tpu.memref_slice %arg7[%add3A_10] : memref<20480xf32, #tpu.memory_space<hbm>> -> memref<640xf32, #tpu.memory_space<hbm>>
      %dma_start3A_11 = tpu.memref_slice %arg12[%mul3A_2] : memref<10240xf32, #tpu.memory_space<vmem_shared>> -> memref<640xf32, #tpu.memory_space<vmem_shared>>
      tpu.enqueue_dma source(%dma_start3A_11 : memref<640xf32, #tpu.memory_space<vmem_shared>>) target(%dma_start3A : memref<640xf32, #tpu.memory_space<hbm>>) target_semaphore(%run_scoped3A : memref<!tpu.dma_semaphore, #tpu.memory_space<semaphore_mem>>)
      %dma_wait3A = tpu.memref_slice %arg7[%add3A_10] : memref<20480xf32, #tpu.memory_space<hbm>> -> memref<640xf32, #tpu.memory_space<hbm>>
      %dma_wait3A_12 = tpu.memref_slice %arg12[%mul3A_2] : memref<10240xf32, #tpu.memory_space<vmem_shared>> -> memref<640xf32, #tpu.memory_space<vmem_shared>>
      tpu.wait_dma2 semaphore(%run_scoped3A : memref<!tpu.dma_semaphore, #tpu.memory_space<semaphore_mem>>) src(%dma_wait3A_12 : memref<640xf32, #tpu.memory_space<vmem_shared>>) dst(%dma_wait3A : memref<640xf32, #tpu.memory_space<hbm>>)
      tpu.yield
    }) : () -> ()
    return
  }
}

module attributes {stable_mosaic.version = 14 : i64} {
  func.func @_mm_body(%arg0: i32, %arg1: memref<1000x1433xf32, #tpu.memory_space<vmem>>, %arg2: memref<128x1433xf32, #tpu.memory_space<vmem>>, %arg3: memref<2x1000x1xf32, #tpu.memory_space<vmem>>, %arg4: memref<1000x128xf32, #tpu.memory_space<vmem>>) attributes {dimension_semantics = [#tpu.dimension_semantics<arbitrary>], iteration_bounds = array<i64: 10>, scalar_prefetch = 0 : i64, scratch_operands = 0 : i64, tpu.core_type = #tpu.core_type<tc>, window_params = [{transform_indices = @transform_0, window_bounds = array<i64: 1000, 1433>}, {pipeline_mode = #tpu.pipeline_mode<synchronous>, transform_indices = @transform_1, window_bounds = array<i64: 128, 1433>}, {transform_indices = @transform_2, window_bounds = array<i64: 2, 1000, 1>}, {transform_indices = @transform_3, window_bounds = array<i64: 1000, 128>}]} {
    %get3A = arith.constant 0 : index
    %get3A_0 = arith.constant 0 : index
    %get3A_1 = arith.constant 0 : index
    %get3A_2 = vector.load %arg3[%get3A, %get3A_0, %get3A_1] : memref<2x1000x1xf32, #tpu.memory_space<vmem>>, vector<1x1000x1xf32>
    %get3A_3 = vector.shape_cast %get3A_2 : vector<1x1000x1xf32> to vector<1000x1xf32>
    %get3A_4 = arith.constant 1 : index
    %get3A_5 = arith.constant 0 : index
    %get3A_6 = arith.constant 0 : index
    %get3A_7 = vector.load %arg3[%get3A_4, %get3A_5, %get3A_6] : memref<2x1000x1xf32, #tpu.memory_space<vmem>>, vector<1x1000x1xf32>
    %get3A_8 = vector.shape_cast %get3A_7 : vector<1x1000x1xf32> to vector<1000x1xf32>
    %add3A = arith.addf %get3A_3, %get3A_8 : vector<1000x1xf32>
    %add3A_9 = arith.constant 1.000000e+00 : f32
    %add3A_10 = vector.broadcast %add3A_9 : f32 to vector<1000x1xf32>
    %add3A_11 = arith.addf %add3A, %add3A_10 : vector<1000x1xf32>
    %get3A_12 = arith.constant 0 : index
    %get3A_13 = arith.constant 0 : index
    %get3A_14 = vector.load %arg1[%get3A_12, %get3A_13] : memref<1000x1433xf32, #tpu.memory_space<vmem>>, vector<1000x1433xf32>
    %get3A_15 = arith.constant 0 : index
    %get3A_16 = arith.constant 0 : index
    %get3A_17 = vector.load %arg2[%get3A_15, %get3A_16] : memref<128x1433xf32, #tpu.memory_space<vmem>>, vector<128x1433xf32>
    %dot_general3A = arith.constant dense<0.000000e+00> : vector<1000x128xf32>
    %dot_general3A_18 = tpu.matmul %get3A_14, %get3A_17, %dot_general3A {dimension_numbers = #tpu.dot_dimension_numbers<[1], [1], [0], [0], [0, 0, 1, 0], [], []>, transpose_lhs_hint = false} : vector<1000x1433xf32>, vector<128x1433xf32>, vector<1000x128xf32> -> vector<1000x128xf32>
    %rsqrt3A = math.rsqrt %add3A_11 : vector<1000x1xf32>
    %mul3A = vector.broadcast %rsqrt3A : vector<1000x1xf32> to vector<1000x128xf32>
    %mul3A_19 = arith.mulf %dot_general3A_18, %mul3A : vector<1000x128xf32>
    %swap3A = arith.constant 0 : index
    %swap3A_20 = arith.constant 0 : index
    %swap3A_21 = vector.load %arg4[%swap3A, %swap3A_20] : memref<1000x128xf32, #tpu.memory_space<vmem>>, vector<1000x128xf32>
    tpu.vector_store %arg4[%swap3A, %swap3A_20], %mul3A_19 {strides = array<i32>} : memref<1000x128xf32, #tpu.memory_space<vmem>>, vector<1000x128xf32>,
    return
  }
  func.func @transform_0(%arg0: i32) -> (i32, i32) {
    %c0_i32 = arith.constant 0 : i32
    %c0_i32_0 = arith.constant 0 : i32
    return %arg0, %c0_i32 : i32, i32
  }
  func.func @transform_1(%arg0: i32) -> (i32, i32) {
    %c0_i32 = arith.constant 0 : i32
    %c0_i32_0 = arith.constant 0 : i32
    %c0_i32_1 = arith.constant 0 : i32
    return %c0_i32, %c0_i32_0 : i32, i32
  }
  func.func @transform_2(%arg0: i32) -> (i32, i32, i32) {
    %c0_i32 = arith.constant 0 : i32
    %c0_i32_0 = arith.constant 0 : i32
    %c0_i32_1 = arith.constant 0 : i32
    return %c0_i32, %arg0, %c0_i32_0 : i32, i32, i32
  }
  func.func @transform_3(%arg0: i32) -> (i32, i32) {
    %c0_i32 = arith.constant 0 : i32
    %c0_i32_0 = arith.constant 0 : i32
    return %arg0, %c0_i32 : i32, i32
  }
}

module attributes {stable_mosaic.version = 14 : i64} {
  func.func @_h_body(%arg0: i32, %arg1: memref<2x2000x1xf32, #tpu.memory_space<vmem>>, %arg2: memref<2x2000x128xf32, #tpu.memory_space<vmem>>, %arg3: memref<2000x128xf32, #tpu.memory_space<vmem>>, %arg4: memref<1x128xf32, #tpu.memory_space<vmem>>, %arg5: memref<2000x128xf32, #tpu.memory_space<vmem>>) attributes {dimension_semantics = [#tpu.dimension_semantics<arbitrary>], iteration_bounds = array<i64: 5>, scalar_prefetch = 0 : i64, scratch_operands = 0 : i64, tpu.core_type = #tpu.core_type<tc>, window_params = [{transform_indices = @transform_0, window_bounds = array<i64: 2, 2000, 1>}, {transform_indices = @transform_1, window_bounds = array<i64: 2, 2000, 128>}, {transform_indices = @transform_2, window_bounds = array<i64: 2000, 128>}, {pipeline_mode = #tpu.pipeline_mode<synchronous>, transform_indices = @transform_3, window_bounds = array<i64: 1, 128>}, {transform_indices = @transform_4, window_bounds = array<i64: 2000, 128>}]} {
    %get3A = arith.constant 0 : index
    %get3A_0 = arith.constant 0 : index
    %get3A_1 = arith.constant 0 : index
    %get3A_2 = vector.load %arg1[%get3A, %get3A_0, %get3A_1] : memref<2x2000x1xf32, #tpu.memory_space<vmem>>, vector<1x2000x1xf32>
    %get3A_3 = vector.shape_cast %get3A_2 : vector<1x2000x1xf32> to vector<2000x1xf32>
    %get3A_4 = arith.constant 1 : index
    %get3A_5 = arith.constant 0 : index
    %get3A_6 = arith.constant 0 : index
    %get3A_7 = vector.load %arg1[%get3A_4, %get3A_5, %get3A_6] : memref<2x2000x1xf32, #tpu.memory_space<vmem>>, vector<1x2000x1xf32>
    %get3A_8 = vector.shape_cast %get3A_7 : vector<1x2000x1xf32> to vector<2000x1xf32>
    %add3A = arith.addf %get3A_3, %get3A_8 : vector<2000x1xf32>
    %add3A_9 = arith.constant 1.000000e+00 : f32
    %add3A_10 = vector.broadcast %add3A_9 : f32 to vector<2000x1xf32>
    %add3A_11 = arith.addf %add3A, %add3A_10 : vector<2000x1xf32>
    %get3A_12 = arith.constant 0 : index
    %get3A_13 = arith.constant 0 : index
    %get3A_14 = arith.constant 0 : index
    %get3A_15 = vector.load %arg2[%get3A_12, %get3A_13, %get3A_14] : memref<2x2000x128xf32, #tpu.memory_space<vmem>>, vector<1x2000x128xf32>
    %get3A_16 = vector.shape_cast %get3A_15 : vector<1x2000x128xf32> to vector<2000x128xf32>
    %get3A_17 = arith.constant 1 : index
    %get3A_18 = arith.constant 0 : index
    %get3A_19 = arith.constant 0 : index
    %get3A_20 = vector.load %arg2[%get3A_17, %get3A_18, %get3A_19] : memref<2x2000x128xf32, #tpu.memory_space<vmem>>, vector<1x2000x128xf32>
    %get3A_21 = vector.shape_cast %get3A_20 : vector<1x2000x128xf32> to vector<2000x128xf32>
    %add3A_22 = arith.addf %get3A_16, %get3A_21 : vector<2000x128xf32>
    %get3A_23 = arith.constant 0 : index
    %get3A_24 = arith.constant 0 : index
    %get3A_25 = vector.load %arg3[%get3A_23, %get3A_24] : memref<2000x128xf32, #tpu.memory_space<vmem>>, vector<2000x128xf32>
    %add3A_26 = arith.addf %add3A_22, %get3A_25 : vector<2000x128xf32>
    %rsqrt3A = math.rsqrt %add3A_11 : vector<2000x1xf32>
    %mul3A = vector.broadcast %rsqrt3A : vector<2000x1xf32> to vector<2000x128xf32>
    %mul3A_27 = arith.mulf %add3A_26, %mul3A : vector<2000x128xf32>
    %get3A_28 = arith.constant 0 : index
    %get3A_29 = arith.constant 0 : index
    %get3A_30 = vector.load %arg4[%get3A_28, %get3A_29] : memref<1x128xf32, #tpu.memory_space<vmem>>, vector<1x128xf32>
    %add3A_31 = vector.broadcast %get3A_30 : vector<1x128xf32> to vector<2000x128xf32>
    %add3A_32 = arith.addf %mul3A_27, %add3A_31 : vector<2000x128xf32>
    %max3A = arith.constant 0.000000e+00 : f32
    %max3A_33 = vector.broadcast %max3A : f32 to vector<2000x128xf32>
    %max3A_34 = arith.maximumf %add3A_32, %max3A_33 : vector<2000x128xf32>
    %swap3A = arith.constant 0 : index
    %swap3A_35 = arith.constant 0 : index
    %swap3A_36 = vector.load %arg5[%swap3A, %swap3A_35] : memref<2000x128xf32, #tpu.memory_space<vmem>>, vector<2000x128xf32>
    tpu.vector_store %arg5[%swap3A, %swap3A_35], %max3A_34 {strides = array<i32>} : memref<2000x128xf32, #tpu.memory_space<vmem>>, vector<2000x128xf32>,
    return
  }
  func.func @transform_0(%arg0: i32) -> (i32, i32, i32) {
    %c0_i32 = arith.constant 0 : i32
    %c0_i32_0 = arith.constant 0 : i32
    %c0_i32_1 = arith.constant 0 : i32
    return %c0_i32, %arg0, %c0_i32_0 : i32, i32, i32
  }
  func.func @transform_1(%arg0: i32) -> (i32, i32, i32) {
    %c0_i32 = arith.constant 0 : i32
    %c0_i32_0 = arith.constant 0 : i32
    %c0_i32_1 = arith.constant 0 : i32
    return %c0_i32, %arg0, %c0_i32_0 : i32, i32, i32
  }
  func.func @transform_2(%arg0: i32) -> (i32, i32) {
    %c0_i32 = arith.constant 0 : i32
    %c0_i32_0 = arith.constant 0 : i32
    return %arg0, %c0_i32 : i32, i32
  }
  func.func @transform_3(%arg0: i32) -> (i32, i32) {
    %c0_i32 = arith.constant 0 : i32
    %c0_i32_0 = arith.constant 0 : i32
    %c0_i32_1 = arith.constant 0 : i32
    return %c0_i32, %c0_i32_0 : i32, i32
  }
  func.func @transform_4(%arg0: i32) -> (i32, i32) {
    %c0_i32 = arith.constant 0 : i32
    %c0_i32_0 = arith.constant 0 : i32
    return %arg0, %c0_i32 : i32, i32
  }
}

module attributes {stable_mosaic.version = 14 : i64} {
  func.func @_out_body(%arg0: i32, %arg1: memref<2000x128xf32, #tpu.memory_space<vmem>>, %arg2: memref<2x2000x128xf32, #tpu.memory_space<vmem>>, %arg3: memref<2x2000x1xf32, #tpu.memory_space<vmem>>, %arg4: memref<16x128xf32, #tpu.memory_space<vmem>>, %arg5: memref<1x16xf32, #tpu.memory_space<vmem>>, %arg6: memref<16x128xf32, #tpu.memory_space<vmem>>, %arg7: memref<1x16xf32, #tpu.memory_space<vmem>>, %arg8: memref<7x16xf32, #tpu.memory_space<vmem>>, %arg9: memref<1x7xf32, #tpu.memory_space<vmem>>, %arg10: memref<2000x7xf32, #tpu.memory_space<vmem>>) attributes {dimension_semantics = [#tpu.dimension_semantics<arbitrary>], iteration_bounds = array<i64: 5>, scalar_prefetch = 0 : i64, scratch_operands = 0 : i64, tpu.core_type = #tpu.core_type<tc>, window_params = [{transform_indices = @transform_0, window_bounds = array<i64: 2000, 128>}, {transform_indices = @transform_1, window_bounds = array<i64: 2, 2000, 128>}, {transform_indices = @transform_2, window_bounds = array<i64: 2, 2000, 1>}, {pipeline_mode = #tpu.pipeline_mode<synchronous>, transform_indices = @transform_3, window_bounds = array<i64: 16, 128>}, {pipeline_mode = #tpu.pipeline_mode<synchronous>, transform_indices = @transform_4, window_bounds = array<i64: 1, 16>}, {pipeline_mode = #tpu.pipeline_mode<synchronous>, transform_indices = @transform_5, window_bounds = array<i64: 16, 128>}, {pipeline_mode = #tpu.pipeline_mode<synchronous>, transform_indices = @transform_6, window_bounds = array<i64: 1, 16>}, {pipeline_mode = #tpu.pipeline_mode<synchronous>, transform_indices = @transform_7, window_bounds = array<i64: 7, 16>}, {pipeline_mode = #tpu.pipeline_mode<synchronous>, transform_indices = @transform_8, window_bounds = array<i64: 1, 7>}, {transform_indices = @transform_9, window_bounds = array<i64: 2000, 7>}]} {
    %get3A = arith.constant 0 : index
    %get3A_0 = arith.constant 0 : index
    %get3A_1 = vector.load %arg1[%get3A, %get3A_0] : memref<2000x128xf32, #tpu.memory_space<vmem>>, vector<2000x128xf32>
    %get3A_2 = arith.constant 0 : index
    %get3A_3 = arith.constant 0 : index
    %get3A_4 = arith.constant 0 : index
    %get3A_5 = vector.load %arg3[%get3A_2, %get3A_3, %get3A_4] : memref<2x2000x1xf32, #tpu.memory_space<vmem>>, vector<1x2000x1xf32>
    %get3A_6 = vector.shape_cast %get3A_5 : vector<1x2000x1xf32> to vector<2000x1xf32>
    %get3A_7 = arith.constant 1 : index
    %get3A_8 = arith.constant 0 : index
    %get3A_9 = arith.constant 0 : index
    %get3A_10 = vector.load %arg3[%get3A_7, %get3A_8, %get3A_9] : memref<2x2000x1xf32, #tpu.memory_space<vmem>>, vector<1x2000x1xf32>
    %get3A_11 = vector.shape_cast %get3A_10 : vector<1x2000x1xf32> to vector<2000x1xf32>
    %add3A = arith.addf %get3A_6, %get3A_11 : vector<2000x1xf32>
    %get3A_12 = arith.constant 0 : index
    %get3A_13 = arith.constant 0 : index
    %get3A_14 = arith.constant 0 : index
    %get3A_15 = vector.load %arg2[%get3A_12, %get3A_13, %get3A_14] : memref<2x2000x128xf32, #tpu.memory_space<vmem>>, vector<1x2000x128xf32>
    %get3A_16 = vector.shape_cast %get3A_15 : vector<1x2000x128xf32> to vector<2000x128xf32>
    %get3A_17 = arith.constant 1 : index
    %get3A_18 = arith.constant 0 : index
    %get3A_19 = arith.constant 0 : index
    %get3A_20 = vector.load %arg2[%get3A_17, %get3A_18, %get3A_19] : memref<2x2000x128xf32, #tpu.memory_space<vmem>>, vector<1x2000x128xf32>
    %get3A_21 = vector.shape_cast %get3A_20 : vector<1x2000x128xf32> to vector<2000x128xf32>
    %add3A_22 = arith.addf %get3A_16, %get3A_21 : vector<2000x128xf32>
    %max3A = arith.constant 1.000000e+00 : f32
    %max3A_23 = vector.broadcast %max3A : f32 to vector<2000x1xf32>
    %max3A_24 = arith.maximumf %add3A, %max3A_23 : vector<2000x1xf32>
    %div3A = vector.broadcast %max3A_24 : vector<2000x1xf32> to vector<2000x128xf32>
    %div3A_25 = arith.divf %add3A_22, %div3A : vector<2000x128xf32>
    %get3A_26 = arith.constant 0 : index
    %get3A_27 = arith.constant 0 : index
    %get3A_28 = vector.load %arg4[%get3A_26, %get3A_27] : memref<16x128xf32, #tpu.memory_space<vmem>>, vector<16x128xf32>
    %dot_general3A = arith.constant dense<0.000000e+00> : vector<2000x16xf32>
    %dot_general3A_29 = tpu.matmul %get3A_1, %get3A_28, %dot_general3A {dimension_numbers = #tpu.dot_dimension_numbers<[1], [1], [0], [0], [0, 0, 1, 0], [], []>, transpose_lhs_hint = false} : vector<2000x128xf32>, vector<16x128xf32>, vector<2000x16xf32> -> vector<2000x16xf32>
    %get3A_30 = arith.constant 0 : index
    %get3A_31 = arith.constant 0 : index
    %get3A_32 = vector.load %arg5[%get3A_30, %get3A_31] : memref<1x16xf32, #tpu.memory_space<vmem>>, vector<1x16xf32>
    %add3A_33 = vector.broadcast %get3A_32 : vector<1x16xf32> to vector<2000x16xf32>
    %add3A_34 = arith.addf %dot_general3A_29, %add3A_33 : vector<2000x16xf32>
    %get3A_35 = arith.constant 0 : index
    %get3A_36 = arith.constant 0 : index
    %get3A_37 = vector.load %arg6[%get3A_35, %get3A_36] : memref<16x128xf32, #tpu.memory_space<vmem>>, vector<16x128xf32>
    %dot_general3A_38 = arith.constant dense<0.000000e+00> : vector<2000x16xf32>
    %dot_general3A_39 = tpu.matmul %div3A_25, %get3A_37, %dot_general3A_38 {dimension_numbers = #tpu.dot_dimension_numbers<[1], [1], [0], [0], [0, 0, 1, 0], [], []>, transpose_lhs_hint = false} : vector<2000x128xf32>, vector<16x128xf32>, vector<2000x16xf32> -> vector<2000x16xf32>
    %add3A_40 = arith.addf %add3A_34, %dot_general3A_39 : vector<2000x16xf32>
    %get3A_41 = arith.constant 0 : index
    %get3A_42 = arith.constant 0 : index
    %get3A_43 = vector.load %arg7[%get3A_41, %get3A_42] : memref<1x16xf32, #tpu.memory_space<vmem>>, vector<1x16xf32>
    %add3A_44 = vector.broadcast %get3A_43 : vector<1x16xf32> to vector<2000x16xf32>
    %add3A_45 = arith.addf %add3A_40, %add3A_44 : vector<2000x16xf32>
    %max3A_46 = arith.constant 0.000000e+00 : f32
    %max3A_47 = vector.broadcast %max3A_46 : f32 to vector<2000x16xf32>
    %max3A_48 = arith.maximumf %add3A_45, %max3A_47 : vector<2000x16xf32>
    %mul3A = arith.mulf %max3A_48, %max3A_48 : vector<2000x16xf32>
    %reduce_sum3A = arith.constant dense<0.000000e+00> : vector<2000xf32>
    %reduce_sum3A_49 = vector.multi_reduction <add>, %mul3A, %reduce_sum3A [1] : vector<2000x16xf32> to vector<2000xf32>
    %broadcast_in_dim3A = vector.shape_cast %reduce_sum3A_49 : vector<2000xf32> to vector<2000x1xf32>
    %sqrt3A = math.sqrt %broadcast_in_dim3A : vector<2000x1xf32>
    %add3A_50 = arith.constant 9.99999997E-7 : f32
    %add3A_51 = vector.broadcast %add3A_50 : f32 to vector<2000x1xf32>
    %add3A_52 = arith.addf %sqrt3A, %add3A_51 : vector<2000x1xf32>
    %div3A_53 = vector.broadcast %add3A_52 : vector<2000x1xf32> to vector<2000x16xf32>
    %div3A_54 = arith.divf %max3A_48, %div3A_53 : vector<2000x16xf32>
    %get3A_55 = arith.constant 0 : index
    %get3A_56 = arith.constant 0 : index
    %get3A_57 = vector.load %arg8[%get3A_55, %get3A_56] : memref<7x16xf32, #tpu.memory_space<vmem>>, vector<7x16xf32>
    %dot_general3A_58 = arith.constant dense<0.000000e+00> : vector<2000x7xf32>
    %dot_general3A_59 = tpu.matmul %div3A_54, %get3A_57, %dot_general3A_58 {dimension_numbers = #tpu.dot_dimension_numbers<[1], [1], [0], [0], [0, 0, 1, 0], [], []>, transpose_lhs_hint = false} : vector<2000x16xf32>, vector<7x16xf32>, vector<2000x7xf32> -> vector<2000x7xf32>
    %get3A_60 = arith.constant 0 : index
    %get3A_61 = arith.constant 0 : index
    %get3A_62 = vector.load %arg9[%get3A_60, %get3A_61] : memref<1x7xf32, #tpu.memory_space<vmem>>, vector<1x7xf32>
    %add3A_63 = vector.broadcast %get3A_62 : vector<1x7xf32> to vector<2000x7xf32>
    %add3A_64 = arith.addf %dot_general3A_59, %add3A_63 : vector<2000x7xf32>
    %reduce_max3A = arith.constant dense<0xFF800000> : vector<2000xf32>
    %reduce_max3A_65 = vector.multi_reduction <maximumf>, %add3A_64, %reduce_max3A [1] : vector<2000x7xf32> to vector<2000xf32>
    %broadcast_in_dim3A_66 = vector.shape_cast %reduce_max3A_65 : vector<2000xf32> to vector<2000x1xf32>
    %sub3A = vector.broadcast %broadcast_in_dim3A_66 : vector<2000x1xf32> to vector<2000x7xf32>
    %sub3A_67 = arith.subf %add3A_64, %sub3A : vector<2000x7xf32>
    %exp3A = math.exp %sub3A_67 : vector<2000x7xf32>
    %reduce_sum3A_68 = arith.constant dense<0.000000e+00> : vector<2000xf32>
    %reduce_sum3A_69 = vector.multi_reduction <add>, %exp3A, %reduce_sum3A_68 [1] : vector<2000x7xf32> to vector<2000xf32>
    %broadcast_in_dim3A_70 = vector.shape_cast %reduce_sum3A_69 : vector<2000xf32> to vector<2000x1xf32>
    %div3A_71 = vector.broadcast %broadcast_in_dim3A_70 : vector<2000x1xf32> to vector<2000x7xf32>
    %div3A_72 = arith.divf %exp3A, %div3A_71 : vector<2000x7xf32>
    %swap3A = arith.constant 0 : index
    %swap3A_73 = arith.constant 0 : index
    %swap3A_74 = vector.load %arg10[%swap3A, %swap3A_73] : memref<2000x7xf32, #tpu.memory_space<vmem>>, vector<2000x7xf32>
    tpu.vector_store %arg10[%swap3A, %swap3A_73], %div3A_72 {strides = array<i32>} : memref<2000x7xf32, #tpu.memory_space<vmem>>, vector<2000x7xf32>,
    return
  }
  func.func @transform_0(%arg0: i32) -> (i32, i32) {
    %c0_i32 = arith.constant 0 : i32
    %c0_i32_0 = arith.constant 0 : i32
    return %arg0, %c0_i32 : i32, i32
  }
  func.func @transform_1(%arg0: i32) -> (i32, i32, i32) {
    %c0_i32 = arith.constant 0 : i32
    %c0_i32_0 = arith.constant 0 : i32
    %c0_i32_1 = arith.constant 0 : i32
    return %c0_i32, %arg0, %c0_i32_0 : i32, i32, i32
  }
  func.func @transform_2(%arg0: i32) -> (i32, i32, i32) {
    %c0_i32 = arith.constant 0 : i32
    %c0_i32_0 = arith.constant 0 : i32
    %c0_i32_1 = arith.constant 0 : i32
    return %c0_i32, %arg0, %c0_i32_0 : i32, i32, i32
  }
  func.func @transform_3(%arg0: i32) -> (i32, i32) {
    %c0_i32 = arith.constant 0 : i32
    %c0_i32_0 = arith.constant 0 : i32
    %c0_i32_1 = arith.constant 0 : i32
    return %c0_i32, %c0_i32_0 : i32, i32
  }
  func.func @transform_4(%arg0: i32) -> (i32, i32) {
    %c0_i32 = arith.constant 0 : i32
    %c0_i32_0 = arith.constant 0 : i32
    %c0_i32_1 = arith.constant 0 : i32
    return %c0_i32, %c0_i32_0 : i32, i32
  }
  func.func @transform_5(%arg0: i32) -> (i32, i32) {
    %c0_i32 = arith.constant 0 : i32
    %c0_i32_0 = arith.constant 0 : i32
    %c0_i32_1 = arith.constant 0 : i32
    return %c0_i32, %c0_i32_0 : i32, i32
  }
  func.func @transform_6(%arg0: i32) -> (i32, i32) {
    %c0_i32 = arith.constant 0 : i32
    %c0_i32_0 = arith.constant 0 : i32
    %c0_i32_1 = arith.constant 0 : i32
    return %c0_i32, %c0_i32_0 : i32, i32
  }
  func.func @transform_7(%arg0: i32) -> (i32, i32) {
    %c0_i32 = arith.constant 0 : i32
    %c0_i32_0 = arith.constant 0 : i32
    %c0_i32_1 = arith.constant 0 : i32
    return %c0_i32, %c0_i32_0 : i32, i32
  }
  func.func @transform_8(%arg0: i32) -> (i32, i32) {
    %c0_i32 = arith.constant 0 : i32
    %c0_i32_0 = arith.constant 0 : i32
    %c0_i32_1 = arith.constant 0 : i32
    return %c0_i32, %c0_i32_0 : i32, i32
  }
  func.func @transform_9(%arg0: i32) -> (i32, i32) {
    %c0_i32 = arith.constant 0 : i32
    %c0_i32_0 = arith.constant 0 : i32
    return %arg0, %c0_i32 : i32, i32
  }
}

</mosaic_0001>

<sc_bundles>
// kernel: kernel.11.cloned.1.call-start
scs
__scs_entry_jumppad:
0x0: {  	(pc) =	sbr.rel $0x88, $3  }
0x1: {  	(tag) =	ssettag $0x0;
	lr =	simm.s32 $0x1  }
0x2: {  	[smem:$0x3F97] =	sst lr;
	_ =	strace $0xD0000000  }
0x3: {  	_ = 	snop  }
0x4: {  	_ = 	snop  }
0x5: {  	_ = 	snop  }
0x6: {  	_ = 	snop  }
0x7: {  	_ = 	snop  }
__scs_overlays_trampoline_lowered:
0x8: {  	[smem:$0x3FA6] =	sst s0  }
0x9: {  	[smem:$0x3FA7] =	sst s1  }
0xa: {  	[smem:$0x3FA8] =	sst s2  }
0xb: {  	[smem:$0x3FA9] =	sst s3  }
0xc: {  	[smem:$0x3FAA] =	sst s4  }
0xd: {  	[smem:$0x3FAB] =	sst s5  }
0xe: {  	[smem:$0x3FAC] =	sst s6  }
0xf: {  	[smem:$0x3FAD] =	sst s7  }
0x10: {  	[smem:$0x3FAE] =	sst s8  }
0x11: {  	[smem:$0x3FAF] =	sst s9;
	s0 =	simm.s32 @!p0 $0x0  }
0x12: {  	s1 =	sld [smem:$0x3F95];
	s0 =	simm.s32 @p0 $0x1  }
0x13: {  	[smem:$0x3FB0] =	sst s0;
	s0 =	simm.s32 @!p1 $0x0  }
0x14: {  	s2 =	sld [smem:$0x3F94];
	s0 =	simm.s32 @p1 $0x1  }
0x15: {  	[smem:$0x3FB1] =	sst s0;
	s0 =	simm.s32 @!p2 $0x0  }
0x16: {  	s3 =	sld [smem:$0x3FDB];
	s0 =	simm.s32 @p2 $0x1  }
0x17: {  	s4 =	simm.s32 $0x1BF5;
	[smem:$0x3FB3] =	sst s0  }
0x18: {  	s0 =	sld [smem:$0x3F96];
	_ =	swait.ge [sflag:s4], $0x0  }
0x19: {  	s7 =	sld [smem:$0x3F97]  }
0x1a: {  	s8 =	sadd.s32 $0xFFFFE003, lr  }
0x1b: {  	s9 =	sadd.s32 $0xFFFFFEF7, lr;
	s5 =	simm.s32 $0xFFFFFFFF;
	p2 =	slt.u32 s8, $0xFFFFF086  }
0x1c: {  	p1 =	slt.u32 s9, $0xF7A;
	s5 =	simm.s32 @!p2 $0x0  }
0x1d: {  	s5 =	simm.s32 @p1 $0x1;
	p0 =	seq.s32 s7, s2  }
0x1e: {  	s7 =	smul.u32 @!p0 $0xF7A, s2;
	p2 =	seq.s32 @!p0 s5, $0x0  }
0x1f: {  	s9 =	smul.u32 $0xF7A, s1;
	s8 =	simm.s32 @!p0 $0x1BF5;
	p2 =	por !p2, p0  }
0x20: {  	[sflag:s8] =	ssyncset.s32 @!p0 $0xFFFFF086;
	s6 =	sadd.s32 @!p0 s3, s7;
	s7 =	simm.s32 @!p0 $0x108  }
0x21: {  	s3 =	sadd.s32 s3, s9;
	s6 =	sadd.s32 @!p0 $0x88, s6;
	s7 =	simm.s32 @p2 $0x1082  }
0x22: {  	[simem:s7], [sflag:s8] =	dma.local @!p0 [hbm:s6], $0xF7A  }
0x23: {  	s9 =	sor.u32 $0xD0000000, s2;
	s6 =	simm.s32 $0x108;
	_ =	swait.ge @!p0 [sflag:s8], $0x0  }
0x24: {  	s3 =	sadd.s32 $0x88, s3;
	s6 =	simm.s32 @!p1 $0x1082;
	[sflag:s4] =	ssyncset.s32 $0xFFFFF086  }
0x25: {  	[simem:s6], [sflag:s4] =	dma.local [hbm:s3], $0xF7A  }
0x26: {  	[smem:$0x3F97] =	sst s1;
	(tag) =	ssettag s2;
	_ =	strace s9  }
0x27: {  	s1 =	sld [smem:$0x3FA7]  }
0x28: {  	s2 =	sld [smem:$0x3FA8]  }
0x29: {  	s4 =	sld [smem:$0x3FAA]  }
0x2a: {  	p0 =	seq.s32 s5, $0x0;
	s5 =	sld [smem:$0x3FAB]  }
0x2b: {  	s6 =	sld [smem:$0x3FAC]  }
0x2c: {  	s7 =	sld [smem:$0x3FAD]  }
0x2d: {  	s3 =	simm.s32 $0x108;
	s8 =	sld [smem:$0x3FAE]  }
0x2e: {  	s3 =	simm.s32 @!p0 $0x1082;
	s9 =	sld [smem:$0x3FAF]  }
0x2f: {  	lr =	sadd.s32 s0, s3;
	s0 =	sld [smem:$0x3FA6]  }
0x30: {  	s3 =	sld [smem:$0x3FA9]  }
0x31: {  	[smem:$0x3FB2] =	sst s10  }
0x32: {  	s10 =	sld [smem:$0x3FB0];
	_ =	sdelay $0x3  }
0x33: {  	p0 =	seq.s32 s10, $0x1;
	s10 =	sld [smem:$0x3FB2];
	_ =	sdelay $0x3  }
0x34: {  	[smem:$0x3FB2] =	sst s10  }
0x35: {  	s10 =	sld [smem:$0x3FB1];
	_ =	sdelay $0x3  }
0x36: {  	p1 =	seq.s32 s10, $0x1;
	s10 =	sld [smem:$0x3FB2];
	_ =	sdelay $0x3  }
0x37: {  	[smem:$0x3FB2] =	sst s10  }
0x38: {  	s10 =	sld [smem:$0x3FB3]  }
0x39: {  	_ = 	snop;
	(pc) =	sbr.ind lr, $3  }
0x3a: {  	_ = 	snop  }
0x3b: {  	_ = 	snop  }
0x3c: {  	p2 =	seq.s32 s10, $0x1;
	s10 =	sld [smem:$0x3FB2]  }
0x3d: {  	_ =	shalt  }
0x3e: {  	_ =	shalt  }
0x3f: {  	_ =	shalt  }
0x40: {  	_ =	shalt  }
0x41: {  	_ =	shalt  }
0x42: {  	_ =	shalt  }
0x43: {  	_ =	shalt  }
0x44: {  	_ =	shalt  }
0x45: {  	_ =	shalt  }
0x46: {  	_ =	shalt  }
0x47: {  	_ =	shalt  }
0x48: {  	_ =	shalt  }
0x49: {  	_ =	shalt  }
0x4a: {  	_ =	shalt  }
0x4b: {  	_ =	shalt  }
0x4c: {  	_ =	shalt  }
0x4d: {  	_ =	shalt  }
0x4e: {  	_ =	shalt  }
0x4f: {  	_ =	shalt  }
0x50: {  	_ =	shalt  }
0x51: {  	_ =	shalt  }
0x52: {  	_ =	shalt  }
0x53: {  	_ =	shalt  }
0x54: {  	_ =	shalt  }
0x55: {  	_ =	shalt  }
0x56: {  	_ =	shalt  }
0x57: {  	_ =	shalt  }
0x58: {  	_ =	shalt  }
0x59: {  	_ =	shalt  }
0x5a: {  	_ =	shalt  }
0x5b: {  	_ =	shalt  }
0x5c: {  	_ =	shalt  }
0x5d: {  	_ =	shalt  }
0x5e: {  	_ =	shalt  }
0x5f: {  	_ =	shalt  }
0x60: {  	_ =	shalt  }
0x61: {  	_ =	shalt  }
0x62: {  	_ =	shalt  }
0x63: {  	_ =	shalt  }
0x64: {  	_ =	shalt  }
0x65: {  	_ =	shalt  }
0x66: {  	_ =	shalt  }
0x67: {  	_ =	shalt  }
0x68: {  	_ =	shalt  }
0x69: {  	_ =	shalt  }
0x6a: {  	_ =	shalt  }
0x6b: {  	_ =	shalt  }
0x6c: {  	_ =	shalt  }
0x6d: {  	_ =	shalt  }
0x6e: {  	_ =	shalt  }
0x6f: {  	_ =	shalt  }
0x70: {  	_ =	shalt  }
0x71: {  	_ =	shalt  }
0x72: {  	_ =	shalt  }
0x73: {  	_ =	shalt  }
0x74: {  	_ =	shalt  }
0x75: {  	_ =	shalt  }
0x76: {  	_ =	shalt  }
0x77: {  	_ =	shalt  }
0x78: {  	_ =	shalt  }
0x79: {  	_ =	shalt  }
0x7a: {  	_ =	shalt  }
0x7b: {  	_ =	shalt  }
0x7c: {  	_ =	shalt  }
0x7d: {  	_ =	shalt  }
0x7e: {  	_ =	shalt  }
0x7f: {  	_ =	shalt  }
0x80: {  	_ =	shalt  }
0x81: {  	_ =	shalt  }
0x82: {  	_ =	shalt  }
0x83: {  	_ =	shalt  }
0x84: {  	_ =	shalt  }
0x85: {  	_ =	shalt  }
0x86: {  	_ =	shalt  }
0x87: {  	_ =	shalt  }
.Lfunc_end0:
.L_simem_size_0:
called_computation.1_lowered:
.L_overlay_start_0:
0x88: {  	s2 =	sld [smem:$0x3FD9]  }
0x89: {  	s3 =	sld [smem:$0x3FFE];
	_ =	sdelay $0x1  }
0x8a: {  	s1 =	srdreg.scid  }
0x8b: {  	s0 =	sand.u32 $0x1, s1  }
0x8c: {  	s16 =	sshll.u32 s0, $0xA;
	s2 =	sadd.s32 s3, s2  }
0x8d: {  	s2 =	sadd.s32 s2, s16  }
0x8e: {  	[smem:$0x3FBE] =	sst s2  }
0x8f: {  	_ = 	snop  }
0x90: {  	(tm) =	ssettm $0x1  }
0x91: {  	s17 =	sld [smem:$0x3FFB];
	_ =	sdelay $0x3  }
0x92: {  	_ =	strace s17  }
0x93: {  	s2 =	sld [smem:$0x3FFC];
	_ =	sdelay $0x3  }
0x94: {  	_ =	strace s2  }
0x95: {  	s2 =	sld [smem:$0x3FFD];
	_ =	sdelay $0x3  }
0x96: {  	_ =	strace s2  }
0x97: {  	_ =	strace $0x8FFFFFFF  }
0x98: {  	s18 =	sld [smem:$0x3FDB];
	_ =	sdelay $0x1  }
0x99: {  	s19 =	simm.s32 $_scs_section_size  }
0x9a: {  	s4 =	simm.s32 $_size__tile_overlayer_lowered;
	s5 =	simm.s32 $_tile_overlayer_lowered  }
0x9b: {  	s22 =	simm.s32 $0x1BFF;
	s21 =	sshll.u32 s5, $0x1;
	s2 =	sadd.s32 s19, s18  }
0x9c: {  	s6 =	simm.s32 $0x0;
	s20 =	sshll.u32 s4, $0x1;
	s4 =	sadd.s32 s21, s2  }
0x9d: {  	[timem:s6], [sflag:s22] =	dma.local [hbm:s4], s20  }
0x9e: {  	_ =	swait.ge [sflag:s22], s20  }
0x9f: {  	s3 =	ssub.s32 $0x0, s20;
	[sflag:s22] =	ssyncset.done $0x0  }
0xa0: {  	[sflag:s22] =	ssyncadd.s32 s3;
	_ =	sdelay $0x1  }
0xa1: {  	s23 =	simm.s32 $0x1B8B  }
0xa2: {  	_ =	swait.ge [sflag:s23], $0x1  }
0xa3: {  	[sflag:s23] =	ssyncset.done $0x0  }
0xa4: {  	s25 =	simm.s32 $0x1B8E;
	s24 =	sld [smem:$0x3FFE];
	[sflag:s23] =	ssyncadd.s32 $0xFFFFFFFF  }
0xa5: {  	s26 =	simm.s32 $execute0_lowered;
	[smem:$0x3FD2] =	sst s25  }
0xa6: {  	s4 =	sshll.u32 s26, $0x1;
	_ =	strace $0x80000049;
	[dreg:$0x1] =	wrdreg $0xFFFFFFFF  }
0xa7: {  	s28 =	simm.s32 $_size_execute0_lowered;
	s2 =	sadd.s32 s2, s4;
	[dreg:$0x0] =	wrdreg $0x0  }
0xa8: {  	s4 =	sshll.u32 s28, $0x1;
	[dreg:$0x2] =	wrdreg s2  }
0xa9: {  	[dreg:$0x3] =	wrdreg s4  }
0xaa: {  	[dreg:$0x4] =	wrdreg $0xC0  }
0xab: {  	_ =	task [dreg:s6], $0x5FFFF  }
0xac: {  	[dreg:$0x1] =	wrdreg $0xFFFFFFFF  }
0xad: {  	[dreg:$0x0] =	wrdreg $0x60  }
0xae: {  	[dreg:$0x2] =	wrdreg s24  }
0xaf: {  	[dreg:$0x3] =	wrdreg $0x41000  }
0xb0: {  	[dreg:$0x4] =	wrdreg $0x9  }
0xb1: {  	_ =	task.clear_ibuf [dreg:s6], $0x5FFFF;
	_ =	strace $0x90000049  }
0xb2: {  	s29 =	simm.s32 $0x9;
	_ =	strace $0x8000004B  }
0xb3: {  	_ =	swait.ge [sflag:s29], $0x1  }
0xb4: {  	[sflag:s29] =	ssyncadd.s32 $0xFFFFFFFF  }
0xb5: {  	_ =	strace $0x9000004B  }
0xb6: {  	_ =	sfence  }
0xb7: {  	s30 =	sld [smem:$0x0];
	_ =	sdelay $0x2  }
0xb8: {  	s31 =	sshll.u32 s1, $0xD;
	s1 =	sshrl.u32 s1, $0x2  }
0xb9: {  	s3 =	sand.u32 $0x4000, s31;
	s1 =	sadd.s32 s1, s30  }
0xba: {  	s0 =	sor.u32 s3, s0;
	s1 =	sshll.u32 s1, $0x11  }
0xbb: {  	s0 =	sor.u32 s1, s0  }
0xbc: {  	s0 =	sadd.s32 $0x8F2B, s0  }
0xbd: {  	[sflag:s0] =	ssyncadd.remote.s32 $0x1  }
0xbe: {  	_ =	sfence.sel $0xFFFF  }
0xbf: {  	[dreg:$0x0] =	wrdreg $0xFFFFFFFF;
	(pc) =	sbr.abs _section_cstart, $3  }
0xc0: {  	[dreg:$0x1] =	wrdreg $0xFFFFFFFF  }
0xc1: {  	_ =	task.clear_ibuf [dreg:s6], $0x2FFFF;
	_ =	strace $0x9FFFFFFF  }
0xc2: {  	(tm) =	ssettm $0x7FFFFFFF  }
0xc3: {  	_ =	shalt  }
tec
execute0_lowered:
.L_overlay_start_1:
0x0: {  	(tag) =	ssettag $0x1  }
0x1: {  	s5 =	rddreg [dreg:$0x0]  }
0x2: {  	s2 =	rddreg [dreg:$0x1]  }
0x3: {  	s0 =	rddreg [dreg:$0x2];
	s1 =	stileid.u32  }
0x4: {  	s4 =	srdreg.scid;
	s3 =	simm.s32 $0x0;
	s6 =	smul.u32 $0x14000, s1  }
0x5: {  	s7 =	sand.u32 $0x1, s4;
	[smem:$0x7FF] =	sst s3;
	s4 =	sadd.s32 $0x17200, s5  }
0x6: {  	s9 =	sshll.u32 s1, $0x5;
	s11 =	smul.u32 $0x50000, s1;
	s30 =	sshll.u32 s1, $0x6  }
0x7: {  	s8 =	smul.u32 $0x140000, s7;
	_ =	strace $0x8000004A;
	s9 =	sadd.s32 s9, s5  }
0x8: {  	s26 =	ssub.s32 $0x2, s7;
	s31 =	sshll.u32 s7, $0x4;
	s7 =	sor.u32 $0x1C01, s30  }
0x9: {  	s10 =	sshrl.u32 s6, $0x3;
	s28 =	sshrl.u32 s26, $0x1;
	s29 =	sshrl.u32 s11, $0x2  }
0xa: {  	s11 =	sadd.s32 s31, s9;
	s6 =	sadd.s32 s6, s8;
	s10 =	sadd.s32 s10, s5  }
0xb: {  	s13 =	ssub.s32 s26, s28;
	s14 =	sadd.s32 s29, s2;
	s6 =	sshrl.u32 s6, $0x3  }
0xc: {  	s9 =	smax.u32 s13, $0x1;
	s13 =	simm.s32 $0x1;
	s12 =	sadd.s32 s6, s5  }
0xd: {  	s5 =	sshll.u32 s1, $0x1;
	s6 =	sadd.s32 $0x3E400, s10;
	s10 =	sadd.s32 $0x2400, s11  }
0xe: {  	s11 =	sadd.s32 $0xC200, s11;
	s8 =	sadd.s32 $0x66400, s12;
	s12 =	sshrl.u32 s14, $0x3  }
.LBB2_1:
0xf: {  	[spmem:s12], [sflag:s7] =	dma.local [hbm:s6], $0x2800  }
0x10: {  	_ =	swait.ge [sflag:s13], $0x2800  }
0x11: {  	p0 =	sgt.u32 s5, $0x9C3;
	[sflag:s13] =	ssyncset.done $0x0  }
0x12: {  	s14 =	sadd.s32 @!p0 $0x0, s11;
	[sflag:s13] =	ssyncadd.s32 $0xFFFFD800  }
0x13: {  	s15 =	simm.s32 @!p0 $0x0;
	s16 =	simm.s32 @!p0 $0x2;
	[bflag:$0x0] =	sbarrier.arrive $0xFFFF  }
0x14: {  	[tilespmem:s15], [sflag:$0x2] =	stream.linear.gather @!p0 [hbm4b:s14+s15], $0x80, $0x38;
	[tilespmem:$0x18100] =	vst v63  }
0x15: {  	_ =	swait.ge @!p0 [sflag:s16], $0x80;
	p0 =	por p0, p0  }
0x16: {  	[sflag:s16] =	ssyncset.done @!p0 $0x0  }
0x17: {  	s14 =	sadd.s32 @!p0 $0x0, s10;
	s17 =	simm.s32 @!p0 $0x80;
	[sflag:s16] =	ssyncadd.s32 @!p0 $0xFFFFFF80  }
0x18: {  	[tilespmem:s17], [sflag:$0x2] =	stream.linear.gather @!p0 [hbm4b:s14+s15], $0x80, $0x38;
	[tilespmem:$0x18100] =	vst v63  }
0x19: {  	_ =	swait.ge @!p0 [sflag:s16], $0x80  }
0x1a: {  	[sflag:s16] =	ssyncset.done @!p0 $0x0  }
0x1b: {  	s14 =	simm.s32 @!p0 $0x100;
	[sflag:s16] =	ssyncadd.s32 @!p0 $0xFFFFFF80  }
0x1c: {  	[tilespmem:s14], [sflag:$0x2] =	stream.indirect.gather @!p0 [hbm4b:s4+s17], $0x80, s15, s17, $0xb8;
	[tilespmem:$0x18100] =	vst v63  }
0x1d: {  	_ =	swait.ge @!p0 [sflag:s16], $0x4000  }
0x1e: {  	[sflag:s16] =	ssyncset.done @!p0 $0x0  }
0x1f: {  	s15 =	sadd.s32 $0x20, s5;
	[sflag:s16] =	ssyncadd.s32 @!p0 $0xFFFFC000  }
0x20: {  	[spmem:s2] =	stream.indirect.scatter.add.f32 @!p0 [tilespmem:s14], [sflag:$0x1], $0x80, s17, s17, $0xb8;
	[tilespmem:$0x18100] =	vst v63  }
0x21: {  	p2 =	sgt.u32 s15, $0x9C3;
	s17 =	simm.s32 @!p0 $0x1  }
0x22: {  	s16 =	simm.s32 $0x400;
	s14 =	simm.s32 $0x200;
	_ =	swait.ge @!p0 [sflag:s17], $0x4000  }
.LBB2_2:
0x23: {  	s18 =	sadd.s32 @!p2 s14, s11  }
0x24: {  	s19 =	simm.s32 @!p2 $0x0;
	[sflag:s17] =	ssyncset.done @!p0 $0x0;
	s20 =	smov.u32 s16  }
0x25: {  	s16 =	sadd.s32 $0x200, s16;
	s21 =	simm.s32 @!p2 $0x2;
	[sflag:s17] =	ssyncadd.s32 @!p0 $0xFFFFC000  }
0x26: {  	[tilespmem:s19], [sflag:$0x2] =	stream.linear.gather @!p2 [hbm4b:s18+s19], $0x80, $0x38;
	[tilespmem:$0x18100] =	vst v63  }
0x27: {  	p1 =	sne.s32 s16, $0x9E00;
	p0 =	por p2, p2;
	_ =	swait.ge @!p2 [sflag:s21], $0x80  }
0x28: {  	[sflag:s21] =	ssyncset.done @!p0 $0x0  }
0x29: {  	s14 =	sadd.s32 @!p0 s14, s10;
	s18 =	simm.s32 @!p0 $0x80;
	[sflag:s21] =	ssyncadd.s32 @!p0 $0xFFFFFF80  }
0x2a: {  	[tilespmem:s18], [sflag:$0x2] =	stream.linear.gather @!p0 [hbm4b:s14+s19], $0x80, $0x38;
	[tilespmem:$0x18100] =	vst v63  }
0x2b: {  	s14 =	smov.u32 s20;
	_ =	swait.ge @!p0 [sflag:s21], $0x80  }
0x2c: {  	[sflag:s21] =	ssyncset.done @!p0 $0x0  }
0x2d: {  	s20 =	simm.s32 @!p0 $0x100;
	[sflag:s21] =	ssyncadd.s32 @!p0 $0xFFFFFF80  }
0x2e: {  	[tilespmem:s20], [sflag:$0x2] =	stream.indirect.gather @!p0 [hbm4b:s4+s18], $0x80, s19, s18, $0xb8;
	[tilespmem:$0x18100] =	vst v63  }
.Ltmp0:
0x2f: {  	_ =	swait.ge @!p0 [sflag:s21], $0x4000;
	(pc) =	sbr.rel @p1 .LBB2_2-.Ltmp0, $4  }
0x30: {  	[sflag:s21] =	ssyncset.done @!p0 $0x0  }
0x31: {  	s15 =	sadd.s32 $0x20, s15;
	s17 =	simm.s32 @!p0 $0x1;
	[sflag:s21] =	ssyncadd.s32 @!p0 $0xFFFFC000  }
0x32: {  	[spmem:s2] =	stream.indirect.scatter.add.f32 @!p0 [tilespmem:s20], [sflag:$0x1], $0x80, s18, s18, $0xb8;
	[tilespmem:$0x18100] =	vst v63  }
0x33: {  	p2 =	sgt.u32 s15, $0x9C3;
	_ =	swait.ge @!p0 [sflag:s17], $0x4000  }
0x34: {  	s15 =	sadd.s32 @!p2 s14, s11;
	[sflag:s17] =	ssyncset.done @!p0 $0x0  }
0x35: {  	s16 =	simm.s32 @!p2 $0x0;
	s18 =	simm.s32 @!p2 $0x2;
	[sflag:s17] =	ssyncadd.s32 @!p0 $0xFFFFC000  }
0x36: {  	[tilespmem:s16], [sflag:$0x2] =	stream.linear.gather @!p2 [hbm4b:s15+s16], $0x80, $0x38;
	[tilespmem:$0x18100] =	vst v63  }
0x37: {  	p0 =	por p2, p2;
	_ =	swait.ge @!p2 [sflag:s18], $0x80  }
0x38: {  	[sflag:s18] =	ssyncset.done @!p0 $0x0  }
0x39: {  	s14 =	sadd.s32 @!p0 s14, s10;
	s15 =	simm.s32 @!p0 $0x80;
	[sflag:s18] =	ssyncadd.s32 @!p0 $0xFFFFFF80  }
0x3a: {  	[tilespmem:s15], [sflag:$0x2] =	stream.linear.gather @!p0 [hbm4b:s14+s16], $0x80, $0x38;
	[tilespmem:$0x18100] =	vst v63  }
0x3b: {  	_ =	swait.ge @!p0 [sflag:s18], $0x80  }
0x3c: {  	[sflag:s18] =	ssyncset.done @!p0 $0x0  }
0x3d: {  	s14 =	simm.s32 @!p0 $0x100;
	[sflag:s18] =	ssyncadd.s32 @!p0 $0xFFFFFF80  }
0x3e: {  	[tilespmem:s14], [sflag:$0x2] =	stream.indirect.gather @!p0 [hbm4b:s4+s15], $0x80, s16, s15, $0xb8;
	[tilespmem:$0x18100] =	vst v63  }
0x3f: {  	_ =	swait.ge @!p0 [sflag:s18], $0x4000  }
0x40: {  	[sflag:s18] =	ssyncset.done @!p0 $0x0  }
0x41: {  	s16 =	simm.s32 @!p0 $0x1;
	[sflag:s18] =	ssyncadd.s32 @!p0 $0xFFFFC000  }
0x42: {  	[spmem:s2] =	stream.indirect.scatter.add.f32 @!p0 [tilespmem:s14], [sflag:$0x1], $0x80, s15, s15, $0xb8;
	[tilespmem:$0x18100] =	vst v63  }
0x43: {  	_ =	swait.ge @!p0 [sflag:s16], $0x4000  }
0x44: {  	s3 =	sadd.s32 $0x1, s3;
	[sflag:s16] =	ssyncset.done @!p0 $0x0  }
0x45: {  	[sflag:s16] =	ssyncadd.s32 @!p0 $0xFFFFC000;
	p0 =	sne.s32 s3, s9  }
.Ltmp1:
0x46: {  	[bflag:$0x0] =	sbarrier.arrive $0xFFFF;
	(pc) =	sbr.rel @p0 .LBB2_1-.Ltmp1, $4  }
0x47: {  	[hbm:s8], [sflag:s7] =	dma.local [spmem:s12], $0x2800  }
0x48: {  	_ =	swait.ge [sflag:s13], $0x2800  }
0x49: {  	[sflag:s13] =	ssyncset.done $0x0  }
0x4a: {  	[sflag:s13] =	ssyncadd.s32 $0xFFFFD800  }
0x4b: {  	_ =	sfence.sel $0x180000  }
0x4c: {  	[bflag:$0x0] =	sbarrier.arrive $0xFFFF  }
0x4d: {  	p0 =	sne.s32 s1, $0x0;
	_ =	strace $0x9000004A  }
0x4e: {  	s0 =	sadd.s32 @!p0 $0x100000, s0;
	[bflag:$0x2] =	sbarrier.arrive $0xFFFF  }
0x4f: {  	[sflag:s0] =	ssyncadd.tile.s32 @!p0 $0x1;
	_ =	shalt  }
.Lfunc_end2:
_tile_overlayer_lowered:
.L_overlay_start_2:
0x50: {  	(tag) =	ssettag $0x2  }
0x51: {  	s0 =	rddreg [dreg:$0x0];
	s2 =	stileid.u32  }
0x52: {  	s1 =	rddreg [dreg:$0x1];
	p0 =	sne.s32 s2, $0x0  }
0x53: {  	s3 =	rddreg [dreg:$0x2];
	[bflag:$0x3] =	sbarrier.arrive $0xFFFF;
	s2 =	simm.s32 @!p0 $0x1C01  }
0x54: {  	[timem:s3], [sflag:s2] =	dma.local @!p0 [hbm:s0], s1  }
0x55: {  	s0 =	simm.s32 @!p0 $0x1  }
0x56: {  	_ =	swait.ge @!p0 [sflag:s0], s1  }
0x57: {  	s1 =	ssub.s32 @!p0 $0x0, s1;
	[sflag:s0] =	ssyncset.done @!p0 $0x0  }
0x58: {  	[sflag:s0] =	ssyncadd.s32 @!p0 s1  }
0x59: {  	[bflag:$0x3] =	sbarrier.arrive $0xFFFF  }
0x5a: {  	_ =	shalt  }

// kernel: kernel.14.cloned.1.call-start
scs
__scs_entry_jumppad:
0x0: {  	(pc) =	sbr.rel $0x88, $3  }
0x1: {  	(tag) =	ssettag $0x0;
	lr =	simm.s32 $0x1  }
0x2: {  	[smem:$0x3F97] =	sst lr;
	_ =	strace $0xD0000000  }
0x3: {  	_ = 	snop  }
0x4: {  	_ = 	snop  }
0x5: {  	_ = 	snop  }
0x6: {  	_ = 	snop  }
0x7: {  	_ = 	snop  }
__scs_overlays_trampoline_lowered:
0x8: {  	[smem:$0x3FA6] =	sst s0  }
0x9: {  	[smem:$0x3FA7] =	sst s1  }
0xa: {  	[smem:$0x3FA8] =	sst s2  }
0xb: {  	[smem:$0x3FA9] =	sst s3  }
0xc: {  	[smem:$0x3FAA] =	sst s4  }
0xd: {  	[smem:$0x3FAB] =	sst s5  }
0xe: {  	[smem:$0x3FAC] =	sst s6  }
0xf: {  	[smem:$0x3FAD] =	sst s7  }
0x10: {  	[smem:$0x3FAE] =	sst s8  }
0x11: {  	[smem:$0x3FAF] =	sst s9;
	s0 =	simm.s32 @!p0 $0x0  }
0x12: {  	s1 =	sld [smem:$0x3F95];
	s0 =	simm.s32 @p0 $0x1  }
0x13: {  	[smem:$0x3FB0] =	sst s0;
	s0 =	simm.s32 @!p1 $0x0  }
0x14: {  	s2 =	sld [smem:$0x3F94];
	s0 =	simm.s32 @p1 $0x1  }
0x15: {  	[smem:$0x3FB1] =	sst s0;
	s0 =	simm.s32 @!p2 $0x0  }
0x16: {  	s3 =	sld [smem:$0x3FDB];
	s0 =	simm.s32 @p2 $0x1  }
0x17: {  	s4 =	simm.s32 $0x1BF5;
	[smem:$0x3FB3] =	sst s0  }
0x18: {  	s0 =	sld [smem:$0x3F96];
	_ =	swait.ge [sflag:s4], $0x0  }
0x19: {  	s7 =	sld [smem:$0x3F97]  }
0x1a: {  	s8 =	sadd.s32 $0xFFFFE003, lr  }
0x1b: {  	s9 =	sadd.s32 $0xFFFFFEF7, lr;
	s5 =	simm.s32 $0xFFFFFFFF;
	p2 =	slt.u32 s8, $0xFFFFF086  }
0x1c: {  	p1 =	slt.u32 s9, $0xF7A;
	s5 =	simm.s32 @!p2 $0x0  }
0x1d: {  	s5 =	simm.s32 @p1 $0x1;
	p0 =	seq.s32 s7, s2  }
0x1e: {  	s7 =	smul.u32 @!p0 $0xF7A, s2;
	p2 =	seq.s32 @!p0 s5, $0x0  }
0x1f: {  	s9 =	smul.u32 $0xF7A, s1;
	s8 =	simm.s32 @!p0 $0x1BF5;
	p2 =	por !p2, p0  }
0x20: {  	[sflag:s8] =	ssyncset.s32 @!p0 $0xFFFFF086;
	s6 =	sadd.s32 @!p0 s3, s7;
	s7 =	simm.s32 @!p0 $0x108  }
0x21: {  	s3 =	sadd.s32 s3, s9;
	s6 =	sadd.s32 @!p0 $0x88, s6;
	s7 =	simm.s32 @p2 $0x1082  }
0x22: {  	[simem:s7], [sflag:s8] =	dma.local @!p0 [hbm:s6], $0xF7A  }
0x23: {  	s9 =	sor.u32 $0xD0000000, s2;
	s6 =	simm.s32 $0x108;
	_ =	swait.ge @!p0 [sflag:s8], $0x0  }
0x24: {  	s3 =	sadd.s32 $0x88, s3;
	s6 =	simm.s32 @!p1 $0x1082;
	[sflag:s4] =	ssyncset.s32 $0xFFFFF086  }
0x25: {  	[simem:s6], [sflag:s4] =	dma.local [hbm:s3], $0xF7A  }
0x26: {  	[smem:$0x3F97] =	sst s1;
	(tag) =	ssettag s2;
	_ =	strace s9  }
0x27: {  	s1 =	sld [smem:$0x3FA7]  }
0x28: {  	s2 =	sld [smem:$0x3FA8]  }
0x29: {  	s4 =	sld [smem:$0x3FAA]  }
0x2a: {  	p0 =	seq.s32 s5, $0x0;
	s5 =	sld [smem:$0x3FAB]  }
0x2b: {  	s6 =	sld [smem:$0x3FAC]  }
0x2c: {  	s7 =	sld [smem:$0x3FAD]  }
0x2d: {  	s3 =	simm.s32 $0x108;
	s8 =	sld [smem:$0x3FAE]  }
0x2e: {  	s3 =	simm.s32 @!p0 $0x1082;
	s9 =	sld [smem:$0x3FAF]  }
0x2f: {  	lr =	sadd.s32 s0, s3;
	s0 =	sld [smem:$0x3FA6]  }
0x30: {  	s3 =	sld [smem:$0x3FA9]  }
0x31: {  	[smem:$0x3FB2] =	sst s10  }
0x32: {  	s10 =	sld [smem:$0x3FB0];
	_ =	sdelay $0x3  }
0x33: {  	p0 =	seq.s32 s10, $0x1;
	s10 =	sld [smem:$0x3FB2];
	_ =	sdelay $0x3  }
0x34: {  	[smem:$0x3FB2] =	sst s10  }
0x35: {  	s10 =	sld [smem:$0x3FB1];
	_ =	sdelay $0x3  }
0x36: {  	p1 =	seq.s32 s10, $0x1;
	s10 =	sld [smem:$0x3FB2];
	_ =	sdelay $0x3  }
0x37: {  	[smem:$0x3FB2] =	sst s10  }
0x38: {  	s10 =	sld [smem:$0x3FB3]  }
0x39: {  	_ = 	snop;
	(pc) =	sbr.ind lr, $3  }
0x3a: {  	_ = 	snop  }
0x3b: {  	_ = 	snop  }
0x3c: {  	p2 =	seq.s32 s10, $0x1;
	s10 =	sld [smem:$0x3FB2]  }
0x3d: {  	_ =	shalt  }
0x3e: {  	_ =	shalt  }
0x3f: {  	_ =	shalt  }
0x40: {  	_ =	shalt  }
0x41: {  	_ =	shalt  }
0x42: {  	_ =	shalt  }
0x43: {  	_ =	shalt  }
0x44: {  	_ =	shalt  }
0x45: {  	_ =	shalt  }
0x46: {  	_ =	shalt  }
0x47: {  	_ =	shalt  }
0x48: {  	_ =	shalt  }
0x49: {  	_ =	shalt  }
0x4a: {  	_ =	shalt  }
0x4b: {  	_ =	shalt  }
0x4c: {  	_ =	shalt  }
0x4d: {  	_ =	shalt  }
0x4e: {  	_ =	shalt  }
0x4f: {  	_ =	shalt  }
0x50: {  	_ =	shalt  }
0x51: {  	_ =	shalt  }
0x52: {  	_ =	shalt  }
0x53: {  	_ =	shalt  }
0x54: {  	_ =	shalt  }
0x55: {  	_ =	shalt  }
0x56: {  	_ =	shalt  }
0x57: {  	_ =	shalt  }
0x58: {  	_ =	shalt  }
0x59: {  	_ =	shalt  }
0x5a: {  	_ =	shalt  }
0x5b: {  	_ =	shalt  }
0x5c: {  	_ =	shalt  }
0x5d: {  	_ =	shalt  }
0x5e: {  	_ =	shalt  }
0x5f: {  	_ =	shalt  }
0x60: {  	_ =	shalt  }
0x61: {  	_ =	shalt  }
0x62: {  	_ =	shalt  }
0x63: {  	_ =	shalt  }
0x64: {  	_ =	shalt  }
0x65: {  	_ =	shalt  }
0x66: {  	_ =	shalt  }
0x67: {  	_ =	shalt  }
0x68: {  	_ =	shalt  }
0x69: {  	_ =	shalt  }
0x6a: {  	_ =	shalt  }
0x6b: {  	_ =	shalt  }
0x6c: {  	_ =	shalt  }
0x6d: {  	_ =	shalt  }
0x6e: {  	_ =	shalt  }
0x6f: {  	_ =	shalt  }
0x70: {  	_ =	shalt  }
0x71: {  	_ =	shalt  }
0x72: {  	_ =	shalt  }
0x73: {  	_ =	shalt  }
0x74: {  	_ =	shalt  }
0x75: {  	_ =	shalt  }
0x76: {  	_ =	shalt  }
0x77: {  	_ =	shalt  }
0x78: {  	_ =	shalt  }
0x79: {  	_ =	shalt  }
0x7a: {  	_ =	shalt  }
0x7b: {  	_ =	shalt  }
0x7c: {  	_ =	shalt  }
0x7d: {  	_ =	shalt  }
0x7e: {  	_ =	shalt  }
0x7f: {  	_ =	shalt  }
0x80: {  	_ =	shalt  }
0x81: {  	_ =	shalt  }
0x82: {  	_ =	shalt  }
0x83: {  	_ =	shalt  }
0x84: {  	_ =	shalt  }
0x85: {  	_ =	shalt  }
0x86: {  	_ =	shalt  }
0x87: {  	_ =	shalt  }
.Lfunc_end0:
.L_simem_size_0:
called_computation.2_lowered:
.L_overlay_start_0:
0x88: {  	s2 =	sld [smem:$0x3FD9]  }
0x89: {  	s3 =	sld [smem:$0x3FFE];
	_ =	sdelay $0x1  }
0x8a: {  	s1 =	srdreg.scid  }
0x8b: {  	s0 =	sand.u32 $0x1, s1  }
0x8c: {  	s16 =	sshll.u32 s0, $0xA;
	s2 =	sadd.s32 s3, s2  }
0x8d: {  	s2 =	sadd.s32 s2, s16  }
0x8e: {  	[smem:$0x3FBE] =	sst s2  }
0x8f: {  	_ = 	snop  }
0x90: {  	(tm) =	ssettm $0x1  }
0x91: {  	s17 =	sld [smem:$0x3FFB];
	_ =	sdelay $0x3  }
0x92: {  	_ =	strace s17  }
0x93: {  	s2 =	sld [smem:$0x3FFC];
	_ =	sdelay $0x3  }
0x94: {  	_ =	strace s2  }
0x95: {  	s2 =	sld [smem:$0x3FFD];
	_ =	sdelay $0x3  }
0x96: {  	_ =	strace s2  }
0x97: {  	_ =	strace $0x8FFFFFFF  }
0x98: {  	s18 =	sld [smem:$0x3FDB];
	_ =	sdelay $0x1  }
0x99: {  	s19 =	simm.s32 $_scs_section_size  }
0x9a: {  	s4 =	simm.s32 $_size__tile_overlayer_lowered;
	s5 =	simm.s32 $_tile_overlayer_lowered  }
0x9b: {  	s22 =	simm.s32 $0x1BFF;
	s21 =	sshll.u32 s5, $0x1;
	s2 =	sadd.s32 s19, s18  }
0x9c: {  	s6 =	simm.s32 $0x0;
	s20 =	sshll.u32 s4, $0x1;
	s4 =	sadd.s32 s21, s2  }
0x9d: {  	[timem:s6], [sflag:s22] =	dma.local [hbm:s4], s20  }
0x9e: {  	_ =	swait.ge [sflag:s22], s20  }
0x9f: {  	s3 =	ssub.s32 $0x0, s20;
	[sflag:s22] =	ssyncset.done $0x0  }
0xa0: {  	[sflag:s22] =	ssyncadd.s32 s3;
	_ =	sdelay $0x1  }
0xa1: {  	s23 =	simm.s32 $0x1B8B  }
0xa2: {  	_ =	swait.ge [sflag:s23], $0x1  }
0xa3: {  	[sflag:s23] =	ssyncset.done $0x0  }
0xa4: {  	s25 =	simm.s32 $0x1B8E;
	s24 =	sld [smem:$0x3FFE];
	[sflag:s23] =	ssyncadd.s32 $0xFFFFFFFF  }
0xa5: {  	s26 =	simm.s32 $execute0_lowered;
	[smem:$0x3FD2] =	sst s25  }
0xa6: {  	s4 =	sshll.u32 s26, $0x1;
	_ =	strace $0x8000004C;
	[dreg:$0x1] =	wrdreg $0xFFFFFFFF  }
0xa7: {  	s28 =	simm.s32 $_size_execute0_lowered;
	s2 =	sadd.s32 s2, s4;
	[dreg:$0x0] =	wrdreg $0x0  }
0xa8: {  	s4 =	sshll.u32 s28, $0x1;
	[dreg:$0x2] =	wrdreg s2  }
0xa9: {  	[dreg:$0x3] =	wrdreg s4  }
0xaa: {  	[dreg:$0x4] =	wrdreg $0xC0  }
0xab: {  	_ =	task [dreg:s6], $0x5FFFF  }
0xac: {  	[dreg:$0x1] =	wrdreg $0xFFFFFFFF  }
0xad: {  	[dreg:$0x0] =	wrdreg $0x60  }
0xae: {  	[dreg:$0x2] =	wrdreg s24  }
0xaf: {  	[dreg:$0x3] =	wrdreg $0x41000  }
0xb0: {  	[dreg:$0x4] =	wrdreg $0x9  }
0xb1: {  	_ =	task.clear_ibuf [dreg:s6], $0x5FFFF;
	_ =	strace $0x9000004C  }
0xb2: {  	s29 =	simm.s32 $0x9;
	_ =	strace $0x8000004E  }
0xb3: {  	_ =	swait.ge [sflag:s29], $0x1  }
0xb4: {  	[sflag:s29] =	ssyncadd.s32 $0xFFFFFFFF  }
0xb5: {  	_ =	strace $0x9000004E  }
0xb6: {  	_ =	sfence  }
0xb7: {  	s30 =	sld [smem:$0x0];
	_ =	sdelay $0x2  }
0xb8: {  	s31 =	sshll.u32 s1, $0xD;
	s1 =	sshrl.u32 s1, $0x2  }
0xb9: {  	s3 =	sand.u32 $0x4000, s31;
	s1 =	sadd.s32 s1, s30  }
0xba: {  	s0 =	sor.u32 s3, s0;
	s1 =	sshll.u32 s1, $0x11  }
0xbb: {  	s0 =	sor.u32 s1, s0  }
0xbc: {  	s0 =	sadd.s32 $0x8F2B, s0  }
0xbd: {  	[sflag:s0] =	ssyncadd.remote.s32 $0x1  }
0xbe: {  	_ =	sfence.sel $0xFFFF  }
0xbf: {  	[dreg:$0x0] =	wrdreg $0xFFFFFFFF;
	(pc) =	sbr.abs _section_cstart, $3  }
0xc0: {  	[dreg:$0x1] =	wrdreg $0xFFFFFFFF  }
0xc1: {  	_ =	task.clear_ibuf [dreg:s6], $0x2FFFF;
	_ =	strace $0x9FFFFFFF  }
0xc2: {  	(tm) =	ssettm $0x7FFFFFFF  }
0xc3: {  	_ =	shalt  }
tec
execute0_lowered:
.L_overlay_start_1:
0x0: {  	(tag) =	ssettag $0x1  }
0x1: {  	s5 =	rddreg [dreg:$0x0]  }
0x2: {  	s2 =	rddreg [dreg:$0x1]  }
0x3: {  	s0 =	rddreg [dreg:$0x2];
	s1 =	stileid.u32  }
0x4: {  	s4 =	srdreg.scid;
	s3 =	simm.s32 $0x0;
	s6 =	smul.u32 $0x14000, s1  }
0x5: {  	s7 =	sand.u32 $0x1, s4;
	[smem:$0x7FF] =	sst s3;
	s4 =	sadd.s32 $0x17200, s5  }
0x6: {  	s9 =	sshll.u32 s1, $0x5;
	s11 =	smul.u32 $0x50000, s1;
	s30 =	sshll.u32 s1, $0x6  }
0x7: {  	s8 =	smul.u32 $0x140000, s7;
	_ =	strace $0x8000004D;
	s9 =	sadd.s32 s9, s5  }
0x8: {  	s26 =	ssub.s32 $0x2, s7;
	s31 =	sshll.u32 s7, $0x4;
	s7 =	sor.u32 $0x1C01, s30  }
0x9: {  	s10 =	sshrl.u32 s6, $0x3;
	s28 =	sshrl.u32 s26, $0x1;
	s29 =	sshrl.u32 s11, $0x2  }
0xa: {  	s11 =	sadd.s32 s31, s9;
	s6 =	sadd.s32 s6, s8;
	s10 =	sadd.s32 s10, s5  }
0xb: {  	s13 =	ssub.s32 s26, s28;
	s14 =	sadd.s32 s29, s2;
	s6 =	sshrl.u32 s6, $0x3  }
0xc: {  	s9 =	smax.u32 s13, $0x1;
	s13 =	simm.s32 $0x1;
	s12 =	sadd.s32 s6, s5  }
0xd: {  	s5 =	sshll.u32 s1, $0x1;
	s6 =	sadd.s32 $0x3E400, s10;
	s10 =	sadd.s32 $0x2400, s11  }
0xe: {  	s11 =	sadd.s32 $0xC200, s11;
	s8 =	sadd.s32 $0x66400, s12;
	s12 =	sshrl.u32 s14, $0x3  }
.LBB2_1:
0xf: {  	[spmem:s12], [sflag:s7] =	dma.local [hbm:s6], $0x2800  }
0x10: {  	_ =	swait.ge [sflag:s13], $0x2800  }
0x11: {  	p0 =	sgt.u32 s5, $0x9C3;
	[sflag:s13] =	ssyncset.done $0x0  }
0x12: {  	s14 =	sadd.s32 @!p0 $0x0, s11;
	[sflag:s13] =	ssyncadd.s32 $0xFFFFD800  }
0x13: {  	s15 =	simm.s32 @!p0 $0x0;
	s16 =	simm.s32 @!p0 $0x2;
	[bflag:$0x0] =	sbarrier.arrive $0xFFFF  }
0x14: {  	[tilespmem:s15], [sflag:$0x2] =	stream.linear.gather @!p0 [hbm4b:s14+s15], $0x80, $0x38;
	[tilespmem:$0x18100] =	vst v63  }
0x15: {  	_ =	swait.ge @!p0 [sflag:s16], $0x80;
	p0 =	por p0, p0  }
0x16: {  	[sflag:s16] =	ssyncset.done @!p0 $0x0  }
0x17: {  	s14 =	sadd.s32 @!p0 $0x0, s10;
	s17 =	simm.s32 @!p0 $0x80;
	[sflag:s16] =	ssyncadd.s32 @!p0 $0xFFFFFF80  }
0x18: {  	[tilespmem:s17], [sflag:$0x2] =	stream.linear.gather @!p0 [hbm4b:s14+s15], $0x80, $0x38;
	[tilespmem:$0x18100] =	vst v63  }
0x19: {  	_ =	swait.ge @!p0 [sflag:s16], $0x80  }
0x1a: {  	[sflag:s16] =	ssyncset.done @!p0 $0x0  }
0x1b: {  	s14 =	simm.s32 @!p0 $0x100;
	[sflag:s16] =	ssyncadd.s32 @!p0 $0xFFFFFF80  }
0x1c: {  	[tilespmem:s14], [sflag:$0x2] =	stream.indirect.gather @!p0 [hbm4b:s4+s17], $0x80, s15, s17, $0xb8;
	[tilespmem:$0x18100] =	vst v63  }
0x1d: {  	_ =	swait.ge @!p0 [sflag:s16], $0x4000  }
0x1e: {  	[sflag:s16] =	ssyncset.done @!p0 $0x0  }
0x1f: {  	s15 =	sadd.s32 $0x20, s5;
	[sflag:s16] =	ssyncadd.s32 @!p0 $0xFFFFC000  }
0x20: {  	[spmem:s2] =	stream.indirect.scatter.add.f32 @!p0 [tilespmem:s14], [sflag:$0x1], $0x80, s17, s17, $0xb8;
	[tilespmem:$0x18100] =	vst v63  }
0x21: {  	p2 =	sgt.u32 s15, $0x9C3;
	s17 =	simm.s32 @!p0 $0x1  }
0x22: {  	s16 =	simm.s32 $0x400;
	s14 =	simm.s32 $0x200;
	_ =	swait.ge @!p0 [sflag:s17], $0x4000  }
.LBB2_2:
0x23: {  	s18 =	sadd.s32 @!p2 s14, s11  }
0x24: {  	s19 =	simm.s32 @!p2 $0x0;
	[sflag:s17] =	ssyncset.done @!p0 $0x0;
	s20 =	smov.u32 s16  }
0x25: {  	s16 =	sadd.s32 $0x200, s16;
	s21 =	simm.s32 @!p2 $0x2;
	[sflag:s17] =	ssyncadd.s32 @!p0 $0xFFFFC000  }
0x26: {  	[tilespmem:s19], [sflag:$0x2] =	stream.linear.gather @!p2 [hbm4b:s18+s19], $0x80, $0x38;
	[tilespmem:$0x18100] =	vst v63  }
0x27: {  	p1 =	sne.s32 s16, $0x9E00;
	p0 =	por p2, p2;
	_ =	swait.ge @!p2 [sflag:s21], $0x80  }
0x28: {  	[sflag:s21] =	ssyncset.done @!p0 $0x0  }
0x29: {  	s14 =	sadd.s32 @!p0 s14, s10;
	s18 =	simm.s32 @!p0 $0x80;
	[sflag:s21] =	ssyncadd.s32 @!p0 $0xFFFFFF80  }
0x2a: {  	[tilespmem:s18], [sflag:$0x2] =	stream.linear.gather @!p0 [hbm4b:s14+s19], $0x80, $0x38;
	[tilespmem:$0x18100] =	vst v63  }
0x2b: {  	s14 =	smov.u32 s20;
	_ =	swait.ge @!p0 [sflag:s21], $0x80  }
0x2c: {  	[sflag:s21] =	ssyncset.done @!p0 $0x0  }
0x2d: {  	s20 =	simm.s32 @!p0 $0x100;
	[sflag:s21] =	ssyncadd.s32 @!p0 $0xFFFFFF80  }
0x2e: {  	[tilespmem:s20], [sflag:$0x2] =	stream.indirect.gather @!p0 [hbm4b:s4+s18], $0x80, s19, s18, $0xb8;
	[tilespmem:$0x18100] =	vst v63  }
.Ltmp0:
0x2f: {  	_ =	swait.ge @!p0 [sflag:s21], $0x4000;
	(pc) =	sbr.rel @p1 .LBB2_2-.Ltmp0, $4  }
0x30: {  	[sflag:s21] =	ssyncset.done @!p0 $0x0  }
0x31: {  	s15 =	sadd.s32 $0x20, s15;
	s17 =	simm.s32 @!p0 $0x1;
	[sflag:s21] =	ssyncadd.s32 @!p0 $0xFFFFC000  }
0x32: {  	[spmem:s2] =	stream.indirect.scatter.add.f32 @!p0 [tilespmem:s20], [sflag:$0x1], $0x80, s18, s18, $0xb8;
	[tilespmem:$0x18100] =	vst v63  }
0x33: {  	p2 =	sgt.u32 s15, $0x9C3;
	_ =	swait.ge @!p0 [sflag:s17], $0x4000  }
0x34: {  	s15 =	sadd.s32 @!p2 s14, s11;
	[sflag:s17] =	ssyncset.done @!p0 $0x0  }
0x35: {  	s16 =	simm.s32 @!p2 $0x0;
	s18 =	simm.s32 @!p2 $0x2;
	[sflag:s17] =	ssyncadd.s32 @!p0 $0xFFFFC000  }
0x36: {  	[tilespmem:s16], [sflag:$0x2] =	stream.linear.gather @!p2 [hbm4b:s15+s16], $0x80, $0x38;
	[tilespmem:$0x18100] =	vst v63  }
0x37: {  	p0 =	por p2, p2;
	_ =	swait.ge @!p2 [sflag:s18], $0x80  }
0x38: {  	[sflag:s18] =	ssyncset.done @!p0 $0x0  }
0x39: {  	s14 =	sadd.s32 @!p0 s14, s10;
	s15 =	simm.s32 @!p0 $0x80;
	[sflag:s18] =	ssyncadd.s32 @!p0 $0xFFFFFF80  }
0x3a: {  	[tilespmem:s15], [sflag:$0x2] =	stream.linear.gather @!p0 [hbm4b:s14+s16], $0x80, $0x38;
	[tilespmem:$0x18100] =	vst v63  }
0x3b: {  	_ =	swait.ge @!p0 [sflag:s18], $0x80  }
0x3c: {  	[sflag:s18] =	ssyncset.done @!p0 $0x0  }
0x3d: {  	s14 =	simm.s32 @!p0 $0x100;
	[sflag:s18] =	ssyncadd.s32 @!p0 $0xFFFFFF80  }
0x3e: {  	[tilespmem:s14], [sflag:$0x2] =	stream.indirect.gather @!p0 [hbm4b:s4+s15], $0x80, s16, s15, $0xb8;
	[tilespmem:$0x18100] =	vst v63  }
0x3f: {  	_ =	swait.ge @!p0 [sflag:s18], $0x4000  }
0x40: {  	[sflag:s18] =	ssyncset.done @!p0 $0x0  }
0x41: {  	s16 =	simm.s32 @!p0 $0x1;
	[sflag:s18] =	ssyncadd.s32 @!p0 $0xFFFFC000  }
0x42: {  	[spmem:s2] =	stream.indirect.scatter.add.f32 @!p0 [tilespmem:s14], [sflag:$0x1], $0x80, s15, s15, $0xb8;
	[tilespmem:$0x18100] =	vst v63  }
0x43: {  	_ =	swait.ge @!p0 [sflag:s16], $0x4000  }
0x44: {  	s3 =	sadd.s32 $0x1, s3;
	[sflag:s16] =	ssyncset.done @!p0 $0x0  }
0x45: {  	[sflag:s16] =	ssyncadd.s32 @!p0 $0xFFFFC000;
	p0 =	sne.s32 s3, s9  }
.Ltmp1:
0x46: {  	[bflag:$0x0] =	sbarrier.arrive $0xFFFF;
	(pc) =	sbr.rel @p0 .LBB2_1-.Ltmp1, $4  }
0x47: {  	[hbm:s8], [sflag:s7] =	dma.local [spmem:s12], $0x2800  }
0x48: {  	_ =	swait.ge [sflag:s13], $0x2800  }
0x49: {  	[sflag:s13] =	ssyncset.done $0x0  }
0x4a: {  	[sflag:s13] =	ssyncadd.s32 $0xFFFFD800  }
0x4b: {  	_ =	sfence.sel $0x180000  }
0x4c: {  	[bflag:$0x0] =	sbarrier.arrive $0xFFFF  }
0x4d: {  	p0 =	sne.s32 s1, $0x0;
	_ =	strace $0x9000004D  }
0x4e: {  	s0 =	sadd.s32 @!p0 $0x100000, s0;
	[bflag:$0x2] =	sbarrier.arrive $0xFFFF  }
0x4f: {  	[sflag:s0] =	ssyncadd.tile.s32 @!p0 $0x1;
	_ =	shalt  }
.Lfunc_end2:
_tile_overlayer_lowered:
.L_overlay_start_2:
0x50: {  	(tag) =	ssettag $0x2  }
0x51: {  	s0 =	rddreg [dreg:$0x0];
	s2 =	stileid.u32  }
0x52: {  	s1 =	rddreg [dreg:$0x1];
	p0 =	sne.s32 s2, $0x0  }
0x53: {  	s3 =	rddreg [dreg:$0x2];
	[bflag:$0x3] =	sbarrier.arrive $0xFFFF;
	s2 =	simm.s32 @!p0 $0x1C01  }
0x54: {  	[timem:s3], [sflag:s2] =	dma.local @!p0 [hbm:s0], s1  }
0x55: {  	s0 =	simm.s32 @!p0 $0x1  }
0x56: {  	_ =	swait.ge @!p0 [sflag:s0], s1  }
0x57: {  	s1 =	ssub.s32 @!p0 $0x0, s1;
	[sflag:s0] =	ssyncset.done @!p0 $0x0  }
0x58: {  	[sflag:s0] =	ssyncadd.s32 @!p0 s1  }
0x59: {  	[bflag:$0x3] =	sbarrier.arrive $0xFFFF  }
0x5a: {  	_ =	shalt  }

// kernel: kernel.8.cloned.1.call-start
scs
__scs_entry_jumppad:
0x0: {  	(pc) =	sbr.rel $0x88, $3  }
0x1: {  	(tag) =	ssettag $0x0;
	lr =	simm.s32 $0x1  }
0x2: {  	[smem:$0x3F97] =	sst lr;
	_ =	strace $0xD0000000  }
0x3: {  	_ = 	snop  }
0x4: {  	_ = 	snop  }
0x5: {  	_ = 	snop  }
0x6: {  	_ = 	snop  }
0x7: {  	_ = 	snop  }
__scs_overlays_trampoline_lowered:
0x8: {  	[smem:$0x3FA6] =	sst s0  }
0x9: {  	[smem:$0x3FA7] =	sst s1  }
0xa: {  	[smem:$0x3FA8] =	sst s2  }
0xb: {  	[smem:$0x3FA9] =	sst s3  }
0xc: {  	[smem:$0x3FAA] =	sst s4  }
0xd: {  	[smem:$0x3FAB] =	sst s5  }
0xe: {  	[smem:$0x3FAC] =	sst s6  }
0xf: {  	[smem:$0x3FAD] =	sst s7  }
0x10: {  	[smem:$0x3FAE] =	sst s8  }
0x11: {  	[smem:$0x3FAF] =	sst s9;
	s0 =	simm.s32 @!p0 $0x0  }
0x12: {  	s1 =	sld [smem:$0x3F95];
	s0 =	simm.s32 @p0 $0x1  }
0x13: {  	[smem:$0x3FB0] =	sst s0;
	s0 =	simm.s32 @!p1 $0x0  }
0x14: {  	s2 =	sld [smem:$0x3F94];
	s0 =	simm.s32 @p1 $0x1  }
0x15: {  	[smem:$0x3FB1] =	sst s0;
	s0 =	simm.s32 @!p2 $0x0  }
0x16: {  	s3 =	sld [smem:$0x3FDB];
	s0 =	simm.s32 @p2 $0x1  }
0x17: {  	s4 =	simm.s32 $0x1BF5;
	[smem:$0x3FB3] =	sst s0  }
0x18: {  	s0 =	sld [smem:$0x3F96];
	_ =	swait.ge [sflag:s4], $0x0  }
0x19: {  	s7 =	sld [smem:$0x3F97]  }
0x1a: {  	s8 =	sadd.s32 $0xFFFFE003, lr  }
0x1b: {  	s9 =	sadd.s32 $0xFFFFFEF7, lr;
	s5 =	simm.s32 $0xFFFFFFFF;
	p2 =	slt.u32 s8, $0xFFFFF086  }
0x1c: {  	p1 =	slt.u32 s9, $0xF7A;
	s5 =	simm.s32 @!p2 $0x0  }
0x1d: {  	s5 =	simm.s32 @p1 $0x1;
	p0 =	seq.s32 s7, s2  }
0x1e: {  	s7 =	smul.u32 @!p0 $0xF7A, s2;
	p2 =	seq.s32 @!p0 s5, $0x0  }
0x1f: {  	s9 =	smul.u32 $0xF7A, s1;
	s8 =	simm.s32 @!p0 $0x1BF5;
	p2 =	por !p2, p0  }
0x20: {  	[sflag:s8] =	ssyncset.s32 @!p0 $0xFFFFF086;
	s6 =	sadd.s32 @!p0 s3, s7;
	s7 =	simm.s32 @!p0 $0x108  }
0x21: {  	s3 =	sadd.s32 s3, s9;
	s6 =	sadd.s32 @!p0 $0x88, s6;
	s7 =	simm.s32 @p2 $0x1082  }
0x22: {  	[simem:s7], [sflag:s8] =	dma.local @!p0 [hbm:s6], $0xF7A  }
0x23: {  	s9 =	sor.u32 $0xD0000000, s2;
	s6 =	simm.s32 $0x108;
	_ =	swait.ge @!p0 [sflag:s8], $0x0  }
0x24: {  	s3 =	sadd.s32 $0x88, s3;
	s6 =	simm.s32 @!p1 $0x1082;
	[sflag:s4] =	ssyncset.s32 $0xFFFFF086  }
0x25: {  	[simem:s6], [sflag:s4] =	dma.local [hbm:s3], $0xF7A  }
0x26: {  	[smem:$0x3F97] =	sst s1;
	(tag) =	ssettag s2;
	_ =	strace s9  }
0x27: {  	s1 =	sld [smem:$0x3FA7]  }
0x28: {  	s2 =	sld [smem:$0x3FA8]  }
0x29: {  	s4 =	sld [smem:$0x3FAA]  }
0x2a: {  	p0 =	seq.s32 s5, $0x0;
	s5 =	sld [smem:$0x3FAB]  }
0x2b: {  	s6 =	sld [smem:$0x3FAC]  }
0x2c: {  	s7 =	sld [smem:$0x3FAD]  }
0x2d: {  	s3 =	simm.s32 $0x108;
	s8 =	sld [smem:$0x3FAE]  }
0x2e: {  	s3 =	simm.s32 @!p0 $0x1082;
	s9 =	sld [smem:$0x3FAF]  }
0x2f: {  	lr =	sadd.s32 s0, s3;
	s0 =	sld [smem:$0x3FA6]  }
0x30: {  	s3 =	sld [smem:$0x3FA9]  }
0x31: {  	[smem:$0x3FB2] =	sst s10  }
0x32: {  	s10 =	sld [smem:$0x3FB0];
	_ =	sdelay $0x3  }
0x33: {  	p0 =	seq.s32 s10, $0x1;
	s10 =	sld [smem:$0x3FB2];
	_ =	sdelay $0x3  }
0x34: {  	[smem:$0x3FB2] =	sst s10  }
0x35: {  	s10 =	sld [smem:$0x3FB1];
	_ =	sdelay $0x3  }
0x36: {  	p1 =	seq.s32 s10, $0x1;
	s10 =	sld [smem:$0x3FB2];
	_ =	sdelay $0x3  }
0x37: {  	[smem:$0x3FB2] =	sst s10  }
0x38: {  	s10 =	sld [smem:$0x3FB3]  }
0x39: {  	_ = 	snop;
	(pc) =	sbr.ind lr, $3  }
0x3a: {  	_ = 	snop  }
0x3b: {  	_ = 	snop  }
0x3c: {  	p2 =	seq.s32 s10, $0x1;
	s10 =	sld [smem:$0x3FB2]  }
0x3d: {  	_ =	shalt  }
0x3e: {  	_ =	shalt  }
0x3f: {  	_ =	shalt  }
0x40: {  	_ =	shalt  }
0x41: {  	_ =	shalt  }
0x42: {  	_ =	shalt  }
0x43: {  	_ =	shalt  }
0x44: {  	_ =	shalt  }
0x45: {  	_ =	shalt  }
0x46: {  	_ =	shalt  }
0x47: {  	_ =	shalt  }
0x48: {  	_ =	shalt  }
0x49: {  	_ =	shalt  }
0x4a: {  	_ =	shalt  }
0x4b: {  	_ =	shalt  }
0x4c: {  	_ =	shalt  }
0x4d: {  	_ =	shalt  }
0x4e: {  	_ =	shalt  }
0x4f: {  	_ =	shalt  }
0x50: {  	_ =	shalt  }
0x51: {  	_ =	shalt  }
0x52: {  	_ =	shalt  }
0x53: {  	_ =	shalt  }
0x54: {  	_ =	shalt  }
0x55: {  	_ =	shalt  }
0x56: {  	_ =	shalt  }
0x57: {  	_ =	shalt  }
0x58: {  	_ =	shalt  }
0x59: {  	_ =	shalt  }
0x5a: {  	_ =	shalt  }
0x5b: {  	_ =	shalt  }
0x5c: {  	_ =	shalt  }
0x5d: {  	_ =	shalt  }
0x5e: {  	_ =	shalt  }
0x5f: {  	_ =	shalt  }
0x60: {  	_ =	shalt  }
0x61: {  	_ =	shalt  }
0x62: {  	_ =	shalt  }
0x63: {  	_ =	shalt  }
0x64: {  	_ =	shalt  }
0x65: {  	_ =	shalt  }
0x66: {  	_ =	shalt  }
0x67: {  	_ =	shalt  }
0x68: {  	_ =	shalt  }
0x69: {  	_ =	shalt  }
0x6a: {  	_ =	shalt  }
0x6b: {  	_ =	shalt  }
0x6c: {  	_ =	shalt  }
0x6d: {  	_ =	shalt  }
0x6e: {  	_ =	shalt  }
0x6f: {  	_ =	shalt  }
0x70: {  	_ =	shalt  }
0x71: {  	_ =	shalt  }
0x72: {  	_ =	shalt  }
0x73: {  	_ =	shalt  }
0x74: {  	_ =	shalt  }
0x75: {  	_ =	shalt  }
0x76: {  	_ =	shalt  }
0x77: {  	_ =	shalt  }
0x78: {  	_ =	shalt  }
0x79: {  	_ =	shalt  }
0x7a: {  	_ =	shalt  }
0x7b: {  	_ =	shalt  }
0x7c: {  	_ =	shalt  }
0x7d: {  	_ =	shalt  }
0x7e: {  	_ =	shalt  }
0x7f: {  	_ =	shalt  }
0x80: {  	_ =	shalt  }
0x81: {  	_ =	shalt  }
0x82: {  	_ =	shalt  }
0x83: {  	_ =	shalt  }
0x84: {  	_ =	shalt  }
0x85: {  	_ =	shalt  }
0x86: {  	_ =	shalt  }
0x87: {  	_ =	shalt  }
.Lfunc_end0:
.L_simem_size_0:
called_computation_lowered:
.L_overlay_start_0:
0x88: {  	s2 =	sld [smem:$0x3FD9]  }
0x89: {  	s3 =	sld [smem:$0x3FFE];
	_ =	sdelay $0x1  }
0x8a: {  	s1 =	srdreg.scid  }
0x8b: {  	s0 =	sand.u32 $0x1, s1  }
0x8c: {  	s17 =	sshll.u32 s0, $0xA;
	s2 =	sadd.s32 s3, s2  }
0x8d: {  	s2 =	sadd.s32 s2, s17  }
0x8e: {  	[smem:$0x3FBE] =	sst s2  }
0x8f: {  	_ = 	snop  }
0x90: {  	s2 =	sld [smem:$0x3FD0];
	(tm) =	ssettm $0x1  }
0x91: {  	s18 =	sld [smem:$0x3FFB];
	_ =	sdelay $0x3  }
0x92: {  	_ =	strace s18  }
0x93: {  	s3 =	sld [smem:$0x3FFC];
	_ =	sdelay $0x3  }
0x94: {  	_ =	strace s3  }
0x95: {  	s3 =	sld [smem:$0x3FFD];
	_ =	sdelay $0x3  }
0x96: {  	_ =	strace s3  }
0x97: {  	_ =	strace $0x8FFFFFFF  }
0x98: {  	s19 =	sld [smem:$0x3FDB];
	_ =	sdelay $0x1  }
0x99: {  	s4 =	simm.s32 $_scs_section_size  }
0x9a: {  	s5 =	simm.s32 $_size__tile_overlayer_lowered;
	s6 =	simm.s32 $_tile_overlayer_lowered  }
0x9b: {  	s22 =	simm.s32 $0x1BFF;
	s21 =	sshll.u32 s6, $0x1;
	s3 =	sadd.s32 s4, s19  }
0x9c: {  	s7 =	simm.s32 $0x0;
	s20 =	sshll.u32 s5, $0x1;
	s5 =	sadd.s32 s21, s3  }
0x9d: {  	[timem:s7], [sflag:s22] =	dma.local [hbm:s5], s20  }
0x9e: {  	_ =	swait.ge [sflag:s22], s20  }
0x9f: {  	s4 =	ssub.s32 $0x0, s20;
	[sflag:s22] =	ssyncset.done $0x0  }
0xa0: {  	[sflag:s22] =	ssyncadd.s32 s4;
	_ =	sdelay $0x1  }
0xa1: {  	s23 =	simm.s32 $0x1B8B  }
0xa2: {  	_ =	swait.ge [sflag:s23], $0x1  }
0xa3: {  	[sflag:s23] =	ssyncset.done $0x0  }
0xa4: {  	s25 =	simm.s32 $0x1B8E;
	s24 =	sld [smem:$0x3FFE];
	[sflag:s23] =	ssyncadd.s32 $0xFFFFFFFF  }
0xa5: {  	s26 =	simm.s32 $execute0_lowered;
	[smem:$0x3FD2] =	sst s25  }
0xa6: {  	s5 =	sshll.u32 s26, $0x1;
	_ =	strace $0x80000046;
	[dreg:$0x1] =	wrdreg $0xFFFFFFFF  }
0xa7: {  	s28 =	simm.s32 $_size_execute0_lowered;
	s3 =	sadd.s32 s3, s5;
	[dreg:$0x0] =	wrdreg $0x0  }
0xa8: {  	s5 =	sshll.u32 s28, $0x1;
	[dreg:$0x2] =	wrdreg s3  }
0xa9: {  	[dreg:$0x3] =	wrdreg s5  }
0xaa: {  	[dreg:$0x4] =	wrdreg $0xC0  }
0xab: {  	_ =	task [dreg:s7], $0x5FFFF  }
0xac: {  	[dreg:$0x1] =	wrdreg $0xFFFFFFFF  }
0xad: {  	[dreg:$0x0] =	wrdreg $0x60  }
0xae: {  	[dreg:$0x2] =	wrdreg s24  }
0xaf: {  	[dreg:$0x3] =	wrdreg s2  }
0xb0: {  	[dreg:$0x4] =	wrdreg $0x1800  }
0xb1: {  	[dreg:$0x5] =	wrdreg $0x4000  }
0xb2: {  	[dreg:$0x6] =	wrdreg $0x9  }
0xb3: {  	_ =	task.clear_ibuf [dreg:s7], $0x7FFFF;
	_ =	strace $0x90000046  }
0xb4: {  	s29 =	simm.s32 $0x9;
	_ =	strace $0x80000048  }
0xb5: {  	_ =	swait.ge [sflag:s29], $0x1  }
0xb6: {  	[sflag:s29] =	ssyncadd.s32 $0xFFFFFFFF  }
0xb7: {  	_ =	strace $0x90000048  }
0xb8: {  	_ =	sfence  }
0xb9: {  	s30 =	sld [smem:$0x0];
	_ =	sdelay $0x2  }
0xba: {  	s31 =	sshll.u32 s1, $0xD;
	s1 =	sshrl.u32 s1, $0x2  }
0xbb: {  	s3 =	sand.u32 $0x4000, s31;
	s1 =	sadd.s32 s1, s30  }
0xbc: {  	s0 =	sor.u32 s3, s0;
	s1 =	sshll.u32 s1, $0x11  }
0xbd: {  	s0 =	sor.u32 s1, s0  }
0xbe: {  	s0 =	sadd.s32 $0x8F2B, s0  }
0xbf: {  	[sflag:s0] =	ssyncadd.remote.s32 $0x1  }
0xc0: {  	_ =	sfence.sel $0xFFFF  }
0xc1: {  	[dreg:$0x0] =	wrdreg $0xFFFFFFFF;
	(pc) =	sbr.abs _section_cstart, $3  }
0xc2: {  	[dreg:$0x1] =	wrdreg $0xFFFFFFFF  }
0xc3: {  	_ =	task.clear_ibuf [dreg:s7], $0x2FFFF;
	_ =	strace $0x9FFFFFFF  }
0xc4: {  	(tm) =	ssettm $0x7FFFFFFF  }
0xc5: {  	_ =	shalt  }
tec
execute0_lowered:
.L_overlay_start_1:
0x0: {  	(tag) =	ssettag $0x1  }
0x1: {  	s6 =	rddreg [dreg:$0x0]  }
0x2: {  	s9 =	rddreg [dreg:$0x1]  }
0x3: {  	s2 =	rddreg [dreg:$0x2]  }
0x4: {  	s3 =	rddreg [dreg:$0x3]  }
0x5: {  	s0 =	rddreg [dreg:$0x4];
	s1 =	stileid.u32  }
0x6: {  	s5 =	srdreg.scid;
	s4 =	simm.s32 $0x0;
	s10 =	smul.u32 $0x280, s1  }
0x7: {  	s11 =	sand.u32 $0x1, s5;
	[smem:$0x7FF] =	sst s4;
	s26 =	sshll.u32 s1, $0x5  }
0x8: {  	s5 =	sadd.s32 $0x16600, s6;
	s30 =	sshll.u32 s1, $0x6;
	s7 =	smul.u32 $0x2800, s11  }
0x9: {  	_ =	strace $0x80000047;
	s12 =	sadd.s32 s26, s6;
	s8 =	ssub.s32 $0x2, s11  }
0xa: {  	s11 =	sshll.u32 s11, $0x4;
	s28 =	sshrl.u32 s10, $0x3;
	s29 =	sshrl.u32 s8, $0x1  }
0xb: {  	s17 =	sadd.s32 s10, s2;
	s18 =	sadd.s32 s10, s3;
	s31 =	sadd.s32 s11, s12  }
0xc: {  	s7 =	sadd.s32 s10, s7;
	s13 =	sadd.s32 s28, s6;
	s16 =	ssub.s32 s8, s29  }
0xd: {  	s8 =	sor.u32 $0x1C01, s30;
	s12 =	sadd.s32 $0x2400, s31;
	s14 =	sshrl.u32 s7, $0x3  }
0xe: {  	s7 =	sadd.s32 $0x16000, s13;
	s11 =	smax.u32 s16, $0x1;
	s13 =	sadd.s32 $0xC200, s31  }
0xf: {  	s16 =	sshrl.u32 s18, $0x3;
	s18 =	simm.s32 $0x0;
	s15 =	sadd.s32 s14, s6  }
0x10: {  	s6 =	sshll.u32 s1, $0x1;
	s9 =	sadd.s32 s9, s14;
	s14 =	sshrl.u32 s17, $0x3  }
0x11: {  	s17 =	simm.s32 $0x100;
	s10 =	sadd.s32 $0x16800, s15;
	s15 =	simm.s32 $0x1  }
.LBB2_1:
0x12: {  	[spmem:s14], [sflag:s8] =	dma.local [hbm:s7], $0x50  }
0x13: {  	_ =	swait.ge [sflag:s15], $0x50  }
0x14: {  	[sflag:s15] =	ssyncset.done $0x0  }
0x15: {  	[sflag:s15] =	ssyncadd.s32 $0xFFFFFFB0  }
0x16: {  	[spmem:s16], [sflag:s8] =	dma.local [hbm:s7], $0x50  }
0x17: {  	_ =	swait.ge [sflag:s15], $0x50  }
0x18: {  	[sflag:s15] =	ssyncset.done $0x0  }
0x19: {  	[sflag:s15] =	ssyncadd.s32 $0xFFFFFFB0  }
0x1a: {  	[tilespmem:s17], [sflag:$0x1] =	stream.linear.gather [hbm4b:s5+s4], $0x80, $0x38;
	[tilespmem:$0x680] =	vst v63  }
0x1b: {  	_ =	swait.ge [sflag:s15], $0x80  }
0x1c: {  	p0 =	sgt.u32 s6, $0x9C3;
	[sflag:s15] =	ssyncset.done $0x0  }
0x1d: {  	s19 =	sadd.s32 @!p0 $0x0, s13;
	[sflag:s15] =	ssyncadd.s32 $0xFFFFFF80  }
0x1e: {  	s20 =	simm.s32 @!p0 $0x0;
	s21 =	simm.s32 @!p0 $0x2;
	[bflag:$0x0] =	sbarrier.arrive $0xFFFF  }
0x1f: {  	[tilespmem:s20], [sflag:$0x2] =	stream.linear.gather @!p0 [hbm4b:s19+s20], $0x80, $0x38;
	[tilespmem:$0x680] =	vst v63  }
0x20: {  	_ =	swait.ge @!p0 [sflag:s21], $0x80;
	p0 =	por p0, p0  }
0x21: {  	[sflag:s21] =	ssyncset.done @!p0 $0x0  }
0x22: {  	s19 =	sadd.s32 @!p0 $0x0, s12;
	s22 =	simm.s32 @!p0 $0x80;
	[sflag:s21] =	ssyncadd.s32 @!p0 $0xFFFFFF80  }
0x23: {  	[tilespmem:s22], [sflag:$0x2] =	stream.linear.gather @!p0 [hbm4b:s19+s20], $0x80, $0x38;
	[tilespmem:$0x680] =	vst v63  }
0x24: {  	_ =	swait.ge @!p0 [sflag:s21], $0x80  }
0x25: {  	[sflag:s21] =	ssyncset.done @!p0 $0x0  }
0x26: {  	s19 =	simm.s32 @!p0 $0x100;
	[sflag:s21] =	ssyncadd.s32 @!p0 $0xFFFFFF80  }
0x27: {  	[spmem:s2] =	stream.indirect.scatter.add.f32 @!p0 [tilespmem:s19], [sflag:$0x2], $0x1, s20, s22, $0xb8;
	[tilespmem:$0x680] =	vst v63  }
0x28: {  	_ =	swait.ge @!p0 [sflag:s21], $0x80  }
0x29: {  	[sflag:s21] =	ssyncset.done @!p0 $0x0  }
0x2a: {  	s20 =	sadd.s32 $0x20, s6;
	[sflag:s21] =	ssyncadd.s32 @!p0 $0xFFFFFF80  }
0x2b: {  	[spmem:s3] =	stream.indirect.scatter.add.f32 @!p0 [tilespmem:s19], [sflag:$0x1], $0x1, s22, s22, $0xb8;
	[tilespmem:$0x680] =	vst v63  }
0x2c: {  	p2 =	sgt.u32 s20, $0x9C3;
	s22 =	simm.s32 @!p0 $0x1  }
0x2d: {  	s21 =	simm.s32 $0x400;
	s19 =	simm.s32 $0x200;
	_ =	swait.ge @!p0 [sflag:s22], $0x80  }
.LBB2_2:
0x2e: {  	s23 =	sadd.s32 @!p2 s19, s13  }
0x2f: {  	s24 =	simm.s32 @!p2 $0x0;
	[sflag:s22] =	ssyncset.done @!p0 $0x0;
	s25 =	smov.u32 s21  }
0x30: {  	s21 =	sadd.s32 $0x200, s21;
	s26 =	simm.s32 @!p2 $0x2;
	[sflag:s22] =	ssyncadd.s32 @!p0 $0xFFFFFF80  }
0x31: {  	[tilespmem:s24], [sflag:$0x2] =	stream.linear.gather @!p2 [hbm4b:s23+s24], $0x80, $0x38;
	[tilespmem:$0x680] =	vst v63  }
0x32: {  	p1 =	sne.s32 s21, $0x9E00;
	p0 =	por p2, p2;
	_ =	swait.ge @!p2 [sflag:s26], $0x80  }
0x33: {  	[sflag:s26] =	ssyncset.done @!p0 $0x0  }
0x34: {  	s19 =	sadd.s32 @!p0 s19, s12;
	s23 =	simm.s32 @!p0 $0x80;
	[sflag:s26] =	ssyncadd.s32 @!p0 $0xFFFFFF80  }
0x35: {  	[tilespmem:s23], [sflag:$0x2] =	stream.linear.gather @!p0 [hbm4b:s19+s24], $0x80, $0x38;
	[tilespmem:$0x680] =	vst v63  }
0x36: {  	s19 =	smov.u32 s25;
	_ =	swait.ge @!p0 [sflag:s26], $0x80  }
0x37: {  	[sflag:s26] =	ssyncset.done @!p0 $0x0  }
0x38: {  	s25 =	simm.s32 @!p0 $0x100;
	[sflag:s26] =	ssyncadd.s32 @!p0 $0xFFFFFF80  }
0x39: {  	[spmem:s2] =	stream.indirect.scatter.add.f32 @!p0 [tilespmem:s25], [sflag:$0x2], $0x1, s24, s23, $0xb8;
	[tilespmem:$0x680] =	vst v63  }
.Ltmp0:
0x3a: {  	_ =	swait.ge @!p0 [sflag:s26], $0x80;
	(pc) =	sbr.rel @p1 .LBB2_2-.Ltmp0, $4  }
0x3b: {  	[sflag:s26] =	ssyncset.done @!p0 $0x0  }
0x3c: {  	s20 =	sadd.s32 $0x20, s20;
	s22 =	simm.s32 @!p0 $0x1;
	[sflag:s26] =	ssyncadd.s32 @!p0 $0xFFFFFF80  }
0x3d: {  	[spmem:s3] =	stream.indirect.scatter.add.f32 @!p0 [tilespmem:s25], [sflag:$0x1], $0x1, s23, s23, $0xb8;
	[tilespmem:$0x680] =	vst v63  }
0x3e: {  	p2 =	sgt.u32 s20, $0x9C3;
	_ =	swait.ge @!p0 [sflag:s22], $0x80  }
0x3f: {  	s20 =	sadd.s32 @!p2 s19, s13;
	[sflag:s22] =	ssyncset.done @!p0 $0x0  }
0x40: {  	s21 =	simm.s32 @!p2 $0x0;
	s23 =	simm.s32 @!p2 $0x2;
	[sflag:s22] =	ssyncadd.s32 @!p0 $0xFFFFFF80  }
0x41: {  	[tilespmem:s21], [sflag:$0x2] =	stream.linear.gather @!p2 [hbm4b:s20+s21], $0x80, $0x38;
	[tilespmem:$0x680] =	vst v63  }
0x42: {  	p0 =	por p2, p2;
	_ =	swait.ge @!p2 [sflag:s23], $0x80  }
0x43: {  	[sflag:s23] =	ssyncset.done @!p0 $0x0  }
0x44: {  	s19 =	sadd.s32 @!p0 s19, s12;
	s20 =	simm.s32 @!p0 $0x80;
	[sflag:s23] =	ssyncadd.s32 @!p0 $0xFFFFFF80  }
0x45: {  	[tilespmem:s20], [sflag:$0x2] =	stream.linear.gather @!p0 [hbm4b:s19+s21], $0x80, $0x38;
	[tilespmem:$0x680] =	vst v63  }
0x46: {  	_ =	swait.ge @!p0 [sflag:s23], $0x80  }
0x47: {  	[sflag:s23] =	ssyncset.done @!p0 $0x0  }
0x48: {  	s19 =	simm.s32 @!p0 $0x100;
	[sflag:s23] =	ssyncadd.s32 @!p0 $0xFFFFFF80  }
0x49: {  	[spmem:s2] =	stream.indirect.scatter.add.f32 @!p0 [tilespmem:s19], [sflag:$0x2], $0x1, s21, s20, $0xb8;
	[tilespmem:$0x680] =	vst v63  }
0x4a: {  	_ =	swait.ge @!p0 [sflag:s23], $0x80  }
0x4b: {  	[sflag:s23] =	ssyncset.done @!p0 $0x0  }
0x4c: {  	s21 =	simm.s32 @!p0 $0x1;
	[sflag:s23] =	ssyncadd.s32 @!p0 $0xFFFFFF80  }
0x4d: {  	[spmem:s3] =	stream.indirect.scatter.add.f32 @!p0 [tilespmem:s19], [sflag:$0x1], $0x1, s20, s20, $0xb8;
	[tilespmem:$0x680] =	vst v63  }
0x4e: {  	_ =	swait.ge @!p0 [sflag:s21], $0x80  }
0x4f: {  	[sflag:s21] =	ssyncset.done @!p0 $0x0  }
0x50: {  	[sflag:s21] =	ssyncadd.s32 @!p0 $0xFFFFFF80  }
0x51: {  	[bflag:$0x0] =	sbarrier.arrive $0xFFFF  }
0x52: {  	[hbm:s9], [sflag:s8] =	dma.local [spmem:s14], $0x50  }
0x53: {  	s18 =	sadd.s32 $0x1, s18;
	_ =	swait.ge [sflag:s15], $0x50  }
0x54: {  	p0 =	sne.s32 s18, s11;
	[sflag:s15] =	ssyncset.done $0x0  }
.Ltmp1:
0x55: {  	[sflag:s15] =	ssyncadd.s32 $0xFFFFFFB0;
	(pc) =	sbr.rel @p0 .LBB2_1-.Ltmp1, $4  }
0x56: {  	[hbm:s10], [sflag:s8] =	dma.local [spmem:s16], $0x50  }
0x57: {  	_ =	swait.ge [sflag:s15], $0x50  }
0x58: {  	[sflag:s15] =	ssyncset.done $0x0  }
0x59: {  	[sflag:s15] =	ssyncadd.s32 $0xFFFFFFB0  }
0x5a: {  	_ =	sfence.sel $0x180000  }
0x5b: {  	[bflag:$0x0] =	sbarrier.arrive $0xFFFF  }
0x5c: {  	p0 =	sne.s32 s1, $0x0;
	_ =	strace $0x90000047  }
0x5d: {  	s0 =	sadd.s32 @!p0 $0x100000, s0;
	[bflag:$0x2] =	sbarrier.arrive $0xFFFF  }
0x5e: {  	[sflag:s0] =	ssyncadd.tile.s32 @!p0 $0x1;
	_ =	shalt  }
.Lfunc_end2:
_tile_overlayer_lowered:
.L_overlay_start_2:
0x5f: {  	(tag) =	ssettag $0x2  }
0x60: {  	s0 =	rddreg [dreg:$0x0];
	s2 =	stileid.u32  }
0x61: {  	s1 =	rddreg [dreg:$0x1];
	p0 =	sne.s32 s2, $0x0  }
0x62: {  	s3 =	rddreg [dreg:$0x2];
	[bflag:$0x3] =	sbarrier.arrive $0xFFFF;
	s2 =	simm.s32 @!p0 $0x1C01  }
0x63: {  	[timem:s3], [sflag:s2] =	dma.local @!p0 [hbm:s0], s1  }
0x64: {  	s0 =	simm.s32 @!p0 $0x1  }
0x65: {  	_ =	swait.ge @!p0 [sflag:s0], s1  }
0x66: {  	s1 =	ssub.s32 @!p0 $0x0, s1;
	[sflag:s0] =	ssyncset.done @!p0 $0x0  }
0x67: {  	[sflag:s0] =	ssyncadd.s32 @!p0 s1  }
0x68: {  	[bflag:$0x3] =	sbarrier.arrive $0xFFFF  }
0x69: {  	_ =	shalt  }

</sc_bundles>
